<compile_context>
chip_gen: v7x
topology: tpu7x:2x2x1
jax: 0.10.2.dev20260603
libtpu: 0.0.44.dev20260713+nightly
codegen_flags: <defaults>
</compile_context>

<pallas_src>
import functools
import jax
import jax.numpy as jnp
from jax import lax
from jax.experimental import pallas as pl
from jax.experimental.pallas import tpu as pltpu
from jax.experimental.pallas import tpu_sc as plsc

DIM = 2048
B_TOTAL = 16384
NUM_WORKERS = 32
B_PER_W = B_TOTAL // NUM_WORKERS
CHUNK = 8
NCHUNK = B_PER_W // CHUNK
NBUF = 6
GDEPTH = 3
OUTER = (NCHUNK + NBUF - 1) // NBUF

_mesh = plsc.VectorSubcoreMesh(core_axis_name="c", subcore_axis_name="s")


@functools.partial(
    pl.kernel,
    mesh=_mesh,
    out_type=jax.ShapeDtypeStruct((B_TOTAL, DIM), jnp.float32),
    scratch_types=[
        pltpu.VMEM((B_PER_W,), jnp.int32),
        pltpu.VMEM((NBUF, CHUNK, DIM), jnp.float32),
        pltpu.SemaphoreType.DMA,
        pltpu.SemaphoreType.DMA,
    ],
)
def _gather_kernel(table_hbm, idx_hbm, out_hbm, idx_v, rows_v, gsem, ssem):
    wid = lax.axis_index("s") * 2 + lax.axis_index("c")
    base = wid * B_PER_W
    pltpu.sync_copy(idx_hbm.at[pl.ds(base, B_PER_W)], idx_v)

    for c in range(GDEPTH):
        pltpu.async_copy(
            table_hbm.at[idx_v.at[pl.ds(c * CHUNK, CHUNK)]],
            rows_v.at[c],
            gsem,
        )

    def outer(i, _):
        for b in range(NBUF):
            c = i * NBUF + b
            g = c + GDEPTH
            gb = (b + GDEPTH) % NBUF

            @pl.when(c < NCHUNK)
            def _():
                pltpu.make_async_copy(
                    table_hbm.at[idx_v.at[pl.ds(0, CHUNK)]],
                    rows_v.at[b],
                    gsem,
                ).wait()

            @pl.when(g < NCHUNK)
            def _():
                @pl.when(g >= NBUF)
                def _():
                    pltpu.make_async_copy(
                        rows_v.at[gb],
                        out_hbm.at[pl.ds(base, CHUNK)],
                        ssem,
                    ).wait()

                pltpu.async_copy(
                    table_hbm.at[idx_v.at[pl.ds(g * CHUNK, CHUNK)]],
                    rows_v.at[gb],
                    gsem,
                )

            @pl.when(c < NCHUNK)
            def _():
                pltpu.async_copy(
                    rows_v.at[b],
                    out_hbm.at[pl.ds(base + c * CHUNK, CHUNK)],
                    ssem,
                )

        return 0

    lax.fori_loop(0, OUTER, outer, 0)

    for _ in range(NBUF):
        pltpu.make_async_copy(
            rows_v.at[0],
            out_hbm.at[pl.ds(base, CHUNK)],
            ssem,
        ).wait()


def kernel(position_ids, table):
    idx = position_ids.astype(jnp.int32).reshape(-1)
    out = _gather_kernel(table, idx)
    return out.reshape(position_ids.shape + (DIM,))

# --- scband reference (transcript-rebuilt; emitter-appended) ---
"""Pipeline reference for scband-fixed-absolute-positional-embedding-81793357185236 (READ-ONLY COPY).

The authoritative reference and input builder live on the scoring server;
editing this copy changes nothing except your own understanding.
"""

import jax, jax.numpy as jnp
import numpy as np

DIM = 2048
MAX_POSITIONS = 16384

def _build_table():
    inv_freq = 1.0 / (10000.0 ** (jnp.arange(0, DIM, 2, dtype=jnp.float32) / DIM))
    t = jnp.arange(MAX_POSITIONS, dtype=jnp.float32)
    sinusoid_inp = jnp.einsum('i,j->ij', t, inv_freq)
    emb = jnp.concatenate([jnp.sin(sinusoid_inp), jnp.cos(sinusoid_inp)], axis=-1)
    if DIM % 2 == 1:
        emb = jnp.concatenate([emb, jnp.zeros((MAX_POSITIONS, 1), dtype=jnp.float32)], axis=-1)
    return emb

def setup_inputs(seed: int = 0) -> dict:
    key = jax.random.key(seed)
    k1, _ = jax.random.split(key)
    position_ids = jax.random.randint(k1, (4, 4096), 0, MAX_POSITIONS, dtype=jnp.int64 if jax.config.read('jax_enable_x64') else jnp.int32)
    table = _build_table()
    return {"position_ids": position_ids, "table": table}

def reference(position_ids, table):
    # embedding lookup: gather rows of frozen sinusoidal table
    return jnp.take(table, position_ids.astype(jnp.int32), axis=0)

if __name__ == "__main__":
    import jax
    _d = setup_inputs()
    print(jax.jit(kernel)(*tuple(_d.values())))

</pallas_src>

<mosaic_0001>
#map = affine_map<(d0, d1) -> (0, 0)>
#map1 = affine_map<(d0, d1) -> (0)>
module attributes {stable_mosaic.version = 14 : i64} {
  func.func @_gather_kernel(%arg0: i32, %arg1: i32, %arg2: memref<16384x2048xf32, #tpu.memory_space<hbm>>, %arg3: memref<16384xi32, #tpu.memory_space<hbm>>, %arg4: memref<16384x2048xf32, #tpu.memory_space<hbm>>, %arg5: memref<512xi32, #tpu.memory_space<vmem>>, %arg6: memref<6x8x2048xf32, #tpu.memory_space<vmem>>, %arg7: memref<!tpu.dma_semaphore, #tpu.memory_space<semaphore_mem>>, %arg8: memref<!tpu.dma_semaphore, #tpu.memory_space<semaphore_mem>>) attributes {dimension_semantics = [#tpu.dimension_semantics<core_parallel>, #tpu.dimension_semantics<subcore_parallel>], iteration_bounds = array<i64: 2, 16>, scalar_prefetch = 0 : i64, scratch_operands = 4 : i64, tpu.core_type = #tpu.core_type<sc_vector_subcore>, window_params = [{transform_indices = #map}, {transform_indices = #map1}, {transform_indices = #map}]} {
    %mul3A = arith.constant 2 : i32
    %mul3A_0 = arith.muli %arg1, %mul3A : i32
    %add3A = arith.addi %mul3A_0, %arg0 : i32
    %mul3A_1 = arith.constant 512 : i32
    %mul3A_2 = arith.muli %add3A, %mul3A_1 : i32
    "tpu.region"() ({
      %run_scoped3A = tpu.sem_alloc : memref<!tpu.dma_semaphore, #tpu.memory_space<semaphore_mem>>
      %dma_start3A_115 = tpu.memref_slice %arg3[%mul3A_2] : memref<16384xi32, #tpu.memory_space<hbm>> -> memref<512xi32, #tpu.memory_space<hbm>>
      %dma_start3A_116 = tpu.memref_slice %arg3[%mul3A_2] : memref<16384xi32, #tpu.memory_space<hbm>> -> memref<512xi32, #tpu.memory_space<hbm>>
      tpu.enqueue_dma source(%dma_start3A_116 : memref<512xi32, #tpu.memory_space<hbm>>) target(%arg5 : memref<512xi32, #tpu.memory_space<vmem>>) target_semaphore(%run_scoped3A : memref<!tpu.dma_semaphore, #tpu.memory_space<semaphore_mem>>)
      %dma_wait3A_117 = tpu.memref_slice %arg3[%mul3A_2] : memref<16384xi32, #tpu.memory_space<hbm>> -> memref<512xi32, #tpu.memory_space<hbm>>
      %dma_wait3A_118 = tpu.memref_slice %arg3[%mul3A_2] : memref<16384xi32, #tpu.memory_space<hbm>> -> memref<512xi32, #tpu.memory_space<hbm>>
      tpu.wait_dma2 semaphore(%run_scoped3A : memref<!tpu.dma_semaphore, #tpu.memory_space<semaphore_mem>>) src(%dma_wait3A_118 : memref<512xi32, #tpu.memory_space<hbm>>) dst(%arg5 : memref<512xi32, #tpu.memory_space<vmem>>)
      tpu.yield
    }) : () -> ()
    %dma_start3A = arith.constant 0 : i32
    %dma_start3A_3 = arith.constant 0 : i32
    %dma_start3A_4 = arith.constant 0 : i32
    %dma_start3A_5 = tpu.memref_slice %arg6[%dma_start3A, %dma_start3A_3, %dma_start3A_4] : memref<6x8x2048xf32, #tpu.memory_space<vmem>> -> memref<1x8x2048xf32, #tpu.memory_space<vmem>>
    %dma_start3A_6 = tpu.memref_squeeze %dma_start3A_5 : memref<1x8x2048xf32, #tpu.memory_space<vmem>> -> memref<8x2048xf32, #tpu.memory_space<vmem>>
    %dma_start3A_7 = arith.constant 0 : i32
    %dma_start3A_8 = tpu.memref_slice %arg5[%dma_start3A_7] : memref<512xi32, #tpu.memory_space<vmem>> -> memref<8xi32, #tpu.memory_space<vmem>>
    %dma_start3A_9 = arith.constant 0 : i32
    %dma_start3A_10 = arith.constant 0 : i32
    %dma_start3A_11 = tpu.memref_slice %arg2[%dma_start3A_9, %dma_start3A_10] : memref<16384x2048xf32, #tpu.memory_space<hbm>> -> memref<16384x2048xf32, #tpu.memory_space<hbm>>
    tpu.enqueue_indirect_dma source(%dma_start3A_11 : memref<16384x2048xf32, #tpu.memory_space<hbm>>) target(%dma_start3A_6 : memref<8x2048xf32, #tpu.memory_space<vmem>>) offsets(%dma_start3A_8 : memref<8xi32, #tpu.memory_space<vmem>>) semaphore(%arg7 : memref<!tpu.dma_semaphore, #tpu.memory_space<semaphore_mem>>)
    %dma_start3A_12 = arith.constant 1 : i32
    %dma_start3A_13 = arith.constant 0 : i32
    %dma_start3A_14 = arith.constant 0 : i32
    %dma_start3A_15 = tpu.memref_slice %arg6[%dma_start3A_12, %dma_start3A_13, %dma_start3A_14] : memref<6x8x2048xf32, #tpu.memory_space<vmem>> -> memref<1x8x2048xf32, #tpu.memory_space<vmem>>
    %dma_start3A_16 = tpu.memref_squeeze %dma_start3A_15 : memref<1x8x2048xf32, #tpu.memory_space<vmem>> -> memref<8x2048xf32, #tpu.memory_space<vmem>>
    %dma_start3A_17 = arith.constant 8 : i32
    %dma_start3A_18 = tpu.memref_slice %arg5[%dma_start3A_17] : memref<512xi32, #tpu.memory_space<vmem>> -> memref<8xi32, #tpu.memory_space<vmem>>
    %dma_start3A_19 = arith.constant 0 : i32
    %dma_start3A_20 = arith.constant 0 : i32
    %dma_start3A_21 = tpu.memref_slice %arg2[%dma_start3A_19, %dma_start3A_20] : memref<16384x2048xf32, #tpu.memory_space<hbm>> -> memref<16384x2048xf32, #tpu.memory_space<hbm>>
    tpu.enqueue_indirect_dma source(%dma_start3A_21 : memref<16384x2048xf32, #tpu.memory_space<hbm>>) target(%dma_start3A_16 : memref<8x2048xf32, #tpu.memory_space<vmem>>) offsets(%dma_start3A_18 : memref<8xi32, #tpu.memory_space<vmem>>) semaphore(%arg7 : memref<!tpu.dma_semaphore, #tpu.memory_space<semaphore_mem>>)
    %dma_start3A_22 = arith.constant 2 : i32
    %dma_start3A_23 = arith.constant 0 : i32
    %dma_start3A_24 = arith.constant 0 : i32
    %dma_start3A_25 = tpu.memref_slice %arg6[%dma_start3A_22, %dma_start3A_23, %dma_start3A_24] : memref<6x8x2048xf32, #tpu.memory_space<vmem>> -> memref<1x8x2048xf32, #tpu.memory_space<vmem>>
    %dma_start3A_26 = tpu.memref_squeeze %dma_start3A_25 : memref<1x8x2048xf32, #tpu.memory_space<vmem>> -> memref<8x2048xf32, #tpu.memory_space<vmem>>
    %dma_start3A_27 = arith.constant 16 : i32
    %dma_start3A_28 = tpu.memref_slice %arg5[%dma_start3A_27] : memref<512xi32, #tpu.memory_space<vmem>> -> memref<8xi32, #tpu.memory_space<vmem>>
    %dma_start3A_29 = arith.constant 0 : i32
    %dma_start3A_30 = arith.constant 0 : i32
    %dma_start3A_31 = tpu.memref_slice %arg2[%dma_start3A_29, %dma_start3A_30] : memref<16384x2048xf32, #tpu.memory_space<hbm>> -> memref<16384x2048xf32, #tpu.memory_space<hbm>>
    tpu.enqueue_indirect_dma source(%dma_start3A_31 : memref<16384x2048xf32, #tpu.memory_space<hbm>>) target(%dma_start3A_26 : memref<8x2048xf32, #tpu.memory_space<vmem>>) offsets(%dma_start3A_28 : memref<8xi32, #tpu.memory_space<vmem>>) semaphore(%arg7 : memref<!tpu.dma_semaphore, #tpu.memory_space<semaphore_mem>>)
    %scan3A = arith.constant 0 : i32
    %scan3A_32 = arith.constant 0 : i32
    %scan3A_33 = arith.constant 11 : i32
    %scan3A_34 = arith.addi %scan3A_32, %scan3A_33 : i32
    %scan3A_35 = arith.constant 1 : i32
    %scan3A_36 = scf.for %scan3A_115 = %scan3A_32 to %scan3A_34 step %scan3A_35 iter_args(%scan3A_116 = %scan3A) -> (i32)  : i32 {
      %mul3A_117 = arith.constant 6 : i32
      %mul3A_118 = arith.muli %scan3A_115, %mul3A_117 : i32
      %add3A_119 = arith.constant 0 : i32
      %add3A_120 = arith.addi %mul3A_118, %add3A_119 : i32
      %add3A_121 = arith.constant 3 : i32
      %add3A_122 = arith.addi %add3A_120, %add3A_121 : i32
      %lt3A = arith.constant 64 : i32
      %lt3A_123 = arith.cmpi slt, %add3A_120, %lt3A : i32
      %convert_element_type3A = arith.extui %lt3A_123 : i1 to i32
      %cond3A = arith.constant 0 : i32
      %cond3A_124 = arith.cmpi ne, %convert_element_type3A, %cond3A : i32
      scf.if %cond3A_124 {
        %dma_wait3A_241 = arith.constant 0 : i32
        %dma_wait3A_242 = arith.constant 0 : i32
        %dma_wait3A_243 = arith.constant 0 : i32
        %dma_wait3A_244 = tpu.memref_slice %arg6[%dma_wait3A_241, %dma_wait3A_242, %dma_wait3A_243] : memref<6x8x2048xf32, #tpu.memory_space<vmem>> -> memref<1x8x2048xf32, #tpu.memory_space<vmem>>
        %dma_wait3A_245 = tpu.memref_squeeze %dma_wait3A_244 : memref<1x8x2048xf32, #tpu.memory_space<vmem>> -> memref<8x2048xf32, #tpu.memory_space<vmem>>
        %dma_wait3A_246 = arith.constant 0 : i32
        %dma_wait3A_247 = tpu.memref_slice %arg5[%dma_wait3A_246] : memref<512xi32, #tpu.memory_space<vmem>> -> memref<8xi32, #tpu.memory_space<vmem>>
        %dma_wait3A_248 = arith.constant 0 : i32
        %dma_wait3A_249 = arith.constant 0 : i32
        %dma_wait3A_250 = tpu.memref_slice %arg2[%dma_wait3A_248, %dma_wait3A_249] : memref<16384x2048xf32, #tpu.memory_space<hbm>> -> memref<16384x2048xf32, #tpu.memory_space<hbm>>
        tpu.wait_indirect_dma semaphore(%arg7 : memref<!tpu.dma_semaphore, #tpu.memory_space<semaphore_mem>>) src(%dma_wait3A_250 : memref<16384x2048xf32, #tpu.memory_space<hbm>>) dst(%dma_wait3A_245 : memref<8x2048xf32, #tpu.memory_space<vmem>>)
      } else {
      }
      %lt3A_125 = arith.constant 64 : i32
      %lt3A_126 = arith.cmpi slt, %add3A_122, %lt3A_125 : i32
      %convert_element_type3A_127 = arith.extui %lt3A_126 : i1 to i32
      %cond3A_128 = arith.constant 0 : i32
      %cond3A_129 = arith.cmpi ne, %convert_element_type3A_127, %cond3A_128 : i32
      scf.if %cond3A_129 {
        %ge3A = arith.constant 6 : i32
        %ge3A_241 = arith.cmpi sge, %add3A_122, %ge3A : i32
        %convert_element_type3A_242 = arith.extui %ge3A_241 : i1 to i32
        %cond3A_243 = arith.constant 0 : i32
        %cond3A_244 = arith.cmpi ne, %convert_element_type3A_242, %cond3A_243 : i32
        scf.if %cond3A_244 {
          %dma_wait3A_256 = arith.constant 3 : i32
          %dma_wait3A_257 = arith.constant 0 : i32
          %dma_wait3A_258 = arith.constant 0 : i32
          %dma_wait3A_259 = tpu.memref_slice %arg6[%dma_wait3A_256, %dma_wait3A_257, %dma_wait3A_258] : memref<6x8x2048xf32, #tpu.memory_space<vmem>> -> memref<1x8x2048xf32, #tpu.memory_space<vmem>>
          %dma_wait3A_260 = tpu.memref_squeeze %dma_wait3A_259 : memref<1x8x2048xf32, #tpu.memory_space<vmem>> -> memref<8x2048xf32, #tpu.memory_space<vmem>>
          %dma_wait3A_261 = arith.constant 0 : i32
          %dma_wait3A_262 = tpu.memref_slice %arg4[%mul3A_2, %dma_wait3A_261] : memref<16384x2048xf32, #tpu.memory_space<hbm>> -> memref<8x2048xf32, #tpu.memory_space<hbm>>
          %dma_wait3A_263 = arith.constant 0 : i32
          %dma_wait3A_264 = tpu.memref_slice %arg4[%mul3A_2, %dma_wait3A_263] : memref<16384x2048xf32, #tpu.memory_space<hbm>> -> memref<8x2048xf32, #tpu.memory_space<hbm>>
          %dma_wait3A_265 = arith.constant 0 : i32
          %dma_wait3A_266 = arith.constant 0 : i32
          %dma_wait3A_267 = tpu.memref_slice %arg6[%dma_wait3A_256, %dma_wait3A_265, %dma_wait3A_266] : memref<6x8x2048xf32, #tpu.memory_space<vmem>> -> memref<1x8x2048xf32, #tpu.memory_space<vmem>>
          %dma_wait3A_268 = tpu.memref_squeeze %dma_wait3A_267 : memref<1x8x2048xf32, #tpu.memory_space<vmem>> -> memref<8x2048xf32, #tpu.memory_space<vmem>>
          tpu.wait_dma2 semaphore(%arg8 : memref<!tpu.dma_semaphore, #tpu.memory_space<semaphore_mem>>) src(%dma_wait3A_268 : memref<8x2048xf32, #tpu.memory_space<vmem>>) dst(%dma_wait3A_264 : memref<8x2048xf32, #tpu.memory_space<hbm>>)
        } else {
        }
        %mul3A_245 = arith.constant 8 : i32
        %mul3A_246 = arith.muli %add3A_122, %mul3A_245 : i32
        %dma_start3A_247 = arith.constant 3 : i32
        %dma_start3A_248 = arith.constant 0 : i32
        %dma_start3A_249 = arith.constant 0 : i32
        %dma_start3A_250 = tpu.memref_slice %arg6[%dma_start3A_247, %dma_start3A_248, %dma_start3A_249] : memref<6x8x2048xf32, #tpu.memory_space<vmem>> -> memref<1x8x2048xf32, #tpu.memory_space<vmem>>
        %dma_start3A_251 = tpu.memref_squeeze %dma_start3A_250 : memref<1x8x2048xf32, #tpu.memory_space<vmem>> -> memref<8x2048xf32, #tpu.memory_space<vmem>>
        %dma_start3A_252 = tpu.memref_slice %arg5[%mul3A_246] : memref<512xi32, #tpu.memory_space<vmem>> -> memref<8xi32, #tpu.memory_space<vmem>>
        %dma_start3A_253 = arith.constant 0 : i32
        %dma_start3A_254 = arith.constant 0 : i32
        %dma_start3A_255 = tpu.memref_slice %arg2[%dma_start3A_253, %dma_start3A_254] : memref<16384x2048xf32, #tpu.memory_space<hbm>> -> memref<16384x2048xf32, #tpu.memory_space<hbm>>
        tpu.enqueue_indirect_dma source(%dma_start3A_255 : memref<16384x2048xf32, #tpu.memory_space<hbm>>) target(%dma_start3A_251 : memref<8x2048xf32, #tpu.memory_space<vmem>>) offsets(%dma_start3A_252 : memref<8xi32, #tpu.memory_space<vmem>>) semaphore(%arg7 : memref<!tpu.dma_semaphore, #tpu.memory_space<semaphore_mem>>)
      } else {
      }
      %lt3A_130 = arith.constant 64 : i32
      %lt3A_131 = arith.cmpi slt, %add3A_120, %lt3A_130 : i32
      %convert_element_type3A_132 = arith.extui %lt3A_131 : i1 to i32
      %cond3A_133 = arith.constant 0 : i32
      %cond3A_134 = arith.cmpi ne, %convert_element_type3A_132, %cond3A_133 : i32
      scf.if %cond3A_134 {
        %mul3A_241 = arith.constant 8 : i32
        %mul3A_242 = arith.muli %add3A_120, %mul3A_241 : i32
        %add3A_243 = arith.addi %mul3A_2, %mul3A_242 : i32
        %dma_start3A_244 = arith.constant 0 : i32
        %dma_start3A_245 = arith.constant 0 : i32
        %dma_start3A_246 = arith.constant 0 : i32
        %dma_start3A_247 = tpu.memref_slice %arg6[%dma_start3A_244, %dma_start3A_245, %dma_start3A_246] : memref<6x8x2048xf32, #tpu.memory_space<vmem>> -> memref<1x8x2048xf32, #tpu.memory_space<vmem>>
        %dma_start3A_248 = tpu.memref_squeeze %dma_start3A_247 : memref<1x8x2048xf32, #tpu.memory_space<vmem>> -> memref<8x2048xf32, #tpu.memory_space<vmem>>
        %dma_start3A_249 = arith.constant 0 : i32
        %dma_start3A_250 = tpu.memref_slice %arg4[%add3A_243, %dma_start3A_249] : memref<16384x2048xf32, #tpu.memory_space<hbm>> -> memref<8x2048xf32, #tpu.memory_space<hbm>>
        %dma_start3A_251 = arith.constant 0 : i32
        %dma_start3A_252 = tpu.memref_slice %arg4[%add3A_243, %dma_start3A_251] : memref<16384x2048xf32, #tpu.memory_space<hbm>> -> memref<8x2048xf32, #tpu.memory_space<hbm>>
        %dma_start3A_253 = arith.constant 0 : i32
        %dma_start3A_254 = arith.constant 0 : i32
        %dma_start3A_255 = tpu.memref_slice %arg6[%dma_start3A_244, %dma_start3A_253, %dma_start3A_254] : memref<6x8x2048xf32, #tpu.memory_space<vmem>> -> memref<1x8x2048xf32, #tpu.memory_space<vmem>>
        %dma_start3A_256 = tpu.memref_squeeze %dma_start3A_255 : memref<1x8x2048xf32, #tpu.memory_space<vmem>> -> memref<8x2048xf32, #tpu.memory_space<vmem>>
        tpu.enqueue_dma source(%dma_start3A_256 : memref<8x2048xf32, #tpu.memory_space<vmem>>) target(%dma_start3A_252 : memref<8x2048xf32, #tpu.memory_space<hbm>>) target_semaphore(%arg8 : memref<!tpu.dma_semaphore, #tpu.memory_space<semaphore_mem>>)
      } else {
      }
      %mul3A_135 = arith.constant 6 : i32
      %mul3A_136 = arith.muli %scan3A_115, %mul3A_135 : i32
      %add3A_137 = arith.constant 1 : i32
      %add3A_138 = arith.addi %mul3A_136, %add3A_137 : i32
      %add3A_139 = arith.constant 3 : i32
      %add3A_140 = arith.addi %add3A_138, %add3A_139 : i32
      %lt3A_141 = arith.constant 64 : i32
      %lt3A_142 = arith.cmpi slt, %add3A_138, %lt3A_141 : i32
      %convert_element_type3A_143 = arith.extui %lt3A_142 : i1 to i32
      %cond3A_144 = arith.constant 0 : i32
      %cond3A_145 = arith.cmpi ne, %convert_element_type3A_143, %cond3A_144 : i32
      scf.if %cond3A_145 {
        %dma_wait3A_241 = arith.constant 1 : i32
        %dma_wait3A_242 = arith.constant 0 : i32
        %dma_wait3A_243 = arith.constant 0 : i32
        %dma_wait3A_244 = tpu.memref_slice %arg6[%dma_wait3A_241, %dma_wait3A_242, %dma_wait3A_243] : memref<6x8x2048xf32, #tpu.memory_space<vmem>> -> memref<1x8x2048xf32, #tpu.memory_space<vmem>>
        %dma_wait3A_245 = tpu.memref_squeeze %dma_wait3A_244 : memref<1x8x2048xf32, #tpu.memory_space<vmem>> -> memref<8x2048xf32, #tpu.memory_space<vmem>>
        %dma_wait3A_246 = arith.constant 0 : i32
        %dma_wait3A_247 = tpu.memref_slice %arg5[%dma_wait3A_246] : memref<512xi32, #tpu.memory_space<vmem>> -> memref<8xi32, #tpu.memory_space<vmem>>
        %dma_wait3A_248 = arith.constant 0 : i32
        %dma_wait3A_249 = arith.constant 0 : i32
        %dma_wait3A_250 = tpu.memref_slice %arg2[%dma_wait3A_248, %dma_wait3A_249] : memref<16384x2048xf32, #tpu.memory_space<hbm>> -> memref<16384x2048xf32, #tpu.memory_space<hbm>>
        tpu.wait_indirect_dma semaphore(%arg7 : memref<!tpu.dma_semaphore, #tpu.memory_space<semaphore_mem>>) src(%dma_wait3A_250 : memref<16384x2048xf32, #tpu.memory_space<hbm>>) dst(%dma_wait3A_245 : memref<8x2048xf32, #tpu.memory_space<vmem>>)
      } else {
      }
      %lt3A_146 = arith.constant 64 : i32
      %lt3A_147 = arith.cmpi slt, %add3A_140, %lt3A_146 : i32
      %convert_element_type3A_148 = arith.extui %lt3A_147 : i1 to i32
      %cond3A_149 = arith.constant 0 : i32
      %cond3A_150 = arith.cmpi ne, %convert_element_type3A_148, %cond3A_149 : i32
      scf.if %cond3A_150 {
        %ge3A = arith.constant 6 : i32
        %ge3A_241 = arith.cmpi sge, %add3A_140, %ge3A : i32
        %convert_element_type3A_242 = arith.extui %ge3A_241 : i1 to i32
        %cond3A_243 = arith.constant 0 : i32
        %cond3A_244 = arith.cmpi ne, %convert_element_type3A_242, %cond3A_243 : i32
        scf.if %cond3A_244 {
          %dma_wait3A_256 = arith.constant 4 : i32
          %dma_wait3A_257 = arith.constant 0 : i32
          %dma_wait3A_258 = arith.constant 0 : i32
          %dma_wait3A_259 = tpu.memref_slice %arg6[%dma_wait3A_256, %dma_wait3A_257, %dma_wait3A_258] : memref<6x8x2048xf32, #tpu.memory_space<vmem>> -> memref<1x8x2048xf32, #tpu.memory_space<vmem>>
          %dma_wait3A_260 = tpu.memref_squeeze %dma_wait3A_259 : memref<1x8x2048xf32, #tpu.memory_space<vmem>> -> memref<8x2048xf32, #tpu.memory_space<vmem>>
          %dma_wait3A_261 = arith.constant 0 : i32
          %dma_wait3A_262 = tpu.memref_slice %arg4[%mul3A_2, %dma_wait3A_261] : memref<16384x2048xf32, #tpu.memory_space<hbm>> -> memref<8x2048xf32, #tpu.memory_space<hbm>>
          %dma_wait3A_263 = arith.constant 0 : i32
          %dma_wait3A_264 = tpu.memref_slice %arg4[%mul3A_2, %dma_wait3A_263] : memref<16384x2048xf32, #tpu.memory_space<hbm>> -> memref<8x2048xf32, #tpu.memory_space<hbm>>
          %dma_wait3A_265 = arith.constant 0 : i32
          %dma_wait3A_266 = arith.constant 0 : i32
          %dma_wait3A_267 = tpu.memref_slice %arg6[%dma_wait3A_256, %dma_wait3A_265, %dma_wait3A_266] : memref<6x8x2048xf32, #tpu.memory_space<vmem>> -> memref<1x8x2048xf32, #tpu.memory_space<vmem>>
          %dma_wait3A_268 = tpu.memref_squeeze %dma_wait3A_267 : memref<1x8x2048xf32, #tpu.memory_space<vmem>> -> memref<8x2048xf32, #tpu.memory_space<vmem>>
          tpu.wait_dma2 semaphore(%arg8 : memref<!tpu.dma_semaphore, #tpu.memory_space<semaphore_mem>>) src(%dma_wait3A_268 : memref<8x2048xf32, #tpu.memory_space<vmem>>) dst(%dma_wait3A_264 : memref<8x2048xf32, #tpu.memory_space<hbm>>)
        } else {
        }
        %mul3A_245 = arith.constant 8 : i32
        %mul3A_246 = arith.muli %add3A_140, %mul3A_245 : i32
        %dma_start3A_247 = arith.constant 4 : i32
        %dma_start3A_248 = arith.constant 0 : i32
        %dma_start3A_249 = arith.constant 0 : i32
        %dma_start3A_250 = tpu.memref_slice %arg6[%dma_start3A_247, %dma_start3A_248, %dma_start3A_249] : memref<6x8x2048xf32, #tpu.memory_space<vmem>> -> memref<1x8x2048xf32, #tpu.memory_space<vmem>>
        %dma_start3A_251 = tpu.memref_squeeze %dma_start3A_250 : memref<1x8x2048xf32, #tpu.memory_space<vmem>> -> memref<8x2048xf32, #tpu.memory_space<vmem>>
        %dma_start3A_252 = tpu.memref_slice %arg5[%mul3A_246] : memref<512xi32, #tpu.memory_space<vmem>> -> memref<8xi32, #tpu.memory_space<vmem>>
        %dma_start3A_253 = arith.constant 0 : i32
        %dma_start3A_254 = arith.constant 0 : i32
        %dma_start3A_255 = tpu.memref_slice %arg2[%dma_start3A_253, %dma_start3A_254] : memref<16384x2048xf32, #tpu.memory_space<hbm>> -> memref<16384x2048xf32, #tpu.memory_space<hbm>>
        tpu.enqueue_indirect_dma source(%dma_start3A_255 : memref<16384x2048xf32, #tpu.memory_space<hbm>>) target(%dma_start3A_251 : memref<8x2048xf32, #tpu.memory_space<vmem>>) offsets(%dma_start3A_252 : memref<8xi32, #tpu.memory_space<vmem>>) semaphore(%arg7 : memref<!tpu.dma_semaphore, #tpu.memory_space<semaphore_mem>>)
      } else {
      }
      %lt3A_151 = arith.constant 64 : i32
      %lt3A_152 = arith.cmpi slt, %add3A_138, %lt3A_151 : i32
      %convert_element_type3A_153 = arith.extui %lt3A_152 : i1 to i32
      %cond3A_154 = arith.constant 0 : i32
      %cond3A_155 = arith.cmpi ne, %convert_element_type3A_153, %cond3A_154 : i32
      scf.if %cond3A_155 {
        %mul3A_241 = arith.constant 8 : i32
        %mul3A_242 = arith.muli %add3A_138, %mul3A_241 : i32
        %add3A_243 = arith.addi %mul3A_2, %mul3A_242 : i32
        %dma_start3A_244 = arith.constant 1 : i32
        %dma_start3A_245 = arith.constant 0 : i32
        %dma_start3A_246 = arith.constant 0 : i32
        %dma_start3A_247 = tpu.memref_slice %arg6[%dma_start3A_244, %dma_start3A_245, %dma_start3A_246] : memref<6x8x2048xf32, #tpu.memory_space<vmem>> -> memref<1x8x2048xf32, #tpu.memory_space<vmem>>
        %dma_start3A_248 = tpu.memref_squeeze %dma_start3A_247 : memref<1x8x2048xf32, #tpu.memory_space<vmem>> -> memref<8x2048xf32, #tpu.memory_space<vmem>>
        %dma_start3A_249 = arith.constant 0 : i32
        %dma_start3A_250 = tpu.memref_slice %arg4[%add3A_243, %dma_start3A_249] : memref<16384x2048xf32, #tpu.memory_space<hbm>> -> memref<8x2048xf32, #tpu.memory_space<hbm>>
        %dma_start3A_251 = arith.constant 0 : i32
        %dma_start3A_252 = tpu.memref_slice %arg4[%add3A_243, %dma_start3A_251] : memref<16384x2048xf32, #tpu.memory_space<hbm>> -> memref<8x2048xf32, #tpu.memory_space<hbm>>
        %dma_start3A_253 = arith.constant 0 : i32
        %dma_start3A_254 = arith.constant 0 : i32
        %dma_start3A_255 = tpu.memref_slice %arg6[%dma_start3A_244, %dma_start3A_253, %dma_start3A_254] : memref<6x8x2048xf32, #tpu.memory_space<vmem>> -> memref<1x8x2048xf32, #tpu.memory_space<vmem>>
        %dma_start3A_256 = tpu.memref_squeeze %dma_start3A_255 : memref<1x8x2048xf32, #tpu.memory_space<vmem>> -> memref<8x2048xf32, #tpu.memory_space<vmem>>
        tpu.enqueue_dma source(%dma_start3A_256 : memref<8x2048xf32, #tpu.memory_space<vmem>>) target(%dma_start3A_252 : memref<8x2048xf32, #tpu.memory_space<hbm>>) target_semaphore(%arg8 : memref<!tpu.dma_semaphore, #tpu.memory_space<semaphore_mem>>)
      } else {
      }
      %mul3A_156 = arith.constant 6 : i32
      %mul3A_157 = arith.muli %scan3A_115, %mul3A_156 : i32
      %add3A_158 = arith.constant 2 : i32
      %add3A_159 = arith.addi %mul3A_157, %add3A_158 : i32
      %add3A_160 = arith.constant 3 : i32
      %add3A_161 = arith.addi %add3A_159, %add3A_160 : i32
      %lt3A_162 = arith.constant 64 : i32
      %lt3A_163 = arith.cmpi slt, %add3A_159, %lt3A_162 : i32
      %convert_element_type3A_164 = arith.extui %lt3A_163 : i1 to i32
      %cond3A_165 = arith.constant 0 : i32
      %cond3A_166 = arith.cmpi ne, %convert_element_type3A_164, %cond3A_165 : i32
      scf.if %cond3A_166 {
        %dma_wait3A_241 = arith.constant 2 : i32
        %dma_wait3A_242 = arith.constant 0 : i32
        %dma_wait3A_243 = arith.constant 0 : i32
        %dma_wait3A_244 = tpu.memref_slice %arg6[%dma_wait3A_241, %dma_wait3A_242, %dma_wait3A_243] : memref<6x8x2048xf32, #tpu.memory_space<vmem>> -> memref<1x8x2048xf32, #tpu.memory_space<vmem>>
        %dma_wait3A_245 = tpu.memref_squeeze %dma_wait3A_244 : memref<1x8x2048xf32, #tpu.memory_space<vmem>> -> memref<8x2048xf32, #tpu.memory_space<vmem>>
        %dma_wait3A_246 = arith.constant 0 : i32
        %dma_wait3A_247 = tpu.memref_slice %arg5[%dma_wait3A_246] : memref<512xi32, #tpu.memory_space<vmem>> -> memref<8xi32, #tpu.memory_space<vmem>>
        %dma_wait3A_248 = arith.constant 0 : i32
        %dma_wait3A_249 = arith.constant 0 : i32
        %dma_wait3A_250 = tpu.memref_slice %arg2[%dma_wait3A_248, %dma_wait3A_249] : memref<16384x2048xf32, #tpu.memory_space<hbm>> -> memref<16384x2048xf32, #tpu.memory_space<hbm>>
        tpu.wait_indirect_dma semaphore(%arg7 : memref<!tpu.dma_semaphore, #tpu.memory_space<semaphore_mem>>) src(%dma_wait3A_250 : memref<16384x2048xf32, #tpu.memory_space<hbm>>) dst(%dma_wait3A_245 : memref<8x2048xf32, #tpu.memory_space<vmem>>)
      } else {
      }
      %lt3A_167 = arith.constant 64 : i32
      %lt3A_168 = arith.cmpi slt, %add3A_161, %lt3A_167 : i32
      %convert_element_type3A_169 = arith.extui %lt3A_168 : i1 to i32
      %cond3A_170 = arith.constant 0 : i32
      %cond3A_171 = arith.cmpi ne, %convert_element_type3A_169, %cond3A_170 : i32
      scf.if %cond3A_171 {
        %ge3A = arith.constant 6 : i32
        %ge3A_241 = arith.cmpi sge, %add3A_161, %ge3A : i32
        %convert_element_type3A_242 = arith.extui %ge3A_241 : i1 to i32
        %cond3A_243 = arith.constant 0 : i32
        %cond3A_244 = arith.cmpi ne, %convert_element_type3A_242, %cond3A_243 : i32
        scf.if %cond3A_244 {
          %dma_wait3A_256 = arith.constant 5 : i32
          %dma_wait3A_257 = arith.constant 0 : i32
          %dma_wait3A_258 = arith.constant 0 : i32
          %dma_wait3A_259 = tpu.memref_slice %arg6[%dma_wait3A_256, %dma_wait3A_257, %dma_wait3A_258] : memref<6x8x2048xf32, #tpu.memory_space<vmem>> -> memref<1x8x2048xf32, #tpu.memory_space<vmem>>
          %dma_wait3A_260 = tpu.memref_squeeze %dma_wait3A_259 : memref<1x8x2048xf32, #tpu.memory_space<vmem>> -> memref<8x2048xf32, #tpu.memory_space<vmem>>
          %dma_wait3A_261 = arith.constant 0 : i32
          %dma_wait3A_262 = tpu.memref_slice %arg4[%mul3A_2, %dma_wait3A_261] : memref<16384x2048xf32, #tpu.memory_space<hbm>> -> memref<8x2048xf32, #tpu.memory_space<hbm>>
          %dma_wait3A_263 = arith.constant 0 : i32
          %dma_wait3A_264 = tpu.memref_slice %arg4[%mul3A_2, %dma_wait3A_263] : memref<16384x2048xf32, #tpu.memory_space<hbm>> -> memref<8x2048xf32, #tpu.memory_space<hbm>>
          %dma_wait3A_265 = arith.constant 0 : i32
          %dma_wait3A_266 = arith.constant 0 : i32
          %dma_wait3A_267 = tpu.memref_slice %arg6[%dma_wait3A_256, %dma_wait3A_265, %dma_wait3A_266] : memref<6x8x2048xf32, #tpu.memory_space<vmem>> -> memref<1x8x2048xf32, #tpu.memory_space<vmem>>
          %dma_wait3A_268 = tpu.memref_squeeze %dma_wait3A_267 : memref<1x8x2048xf32, #tpu.memory_space<vmem>> -> memref<8x2048xf32, #tpu.memory_space<vmem>>
          tpu.wait_dma2 semaphore(%arg8 : memref<!tpu.dma_semaphore, #tpu.memory_space<semaphore_mem>>) src(%dma_wait3A_268 : memref<8x2048xf32, #tpu.memory_space<vmem>>) dst(%dma_wait3A_264 : memref<8x2048xf32, #tpu.memory_space<hbm>>)
        } else {
        }
        %mul3A_245 = arith.constant 8 : i32
        %mul3A_246 = arith.muli %add3A_161, %mul3A_245 : i32
        %dma_start3A_247 = arith.constant 5 : i32
        %dma_start3A_248 = arith.constant 0 : i32
        %dma_start3A_249 = arith.constant 0 : i32
        %dma_start3A_250 = tpu.memref_slice %arg6[%dma_start3A_247, %dma_start3A_248, %dma_start3A_249] : memref<6x8x2048xf32, #tpu.memory_space<vmem>> -> memref<1x8x2048xf32, #tpu.memory_space<vmem>>
        %dma_start3A_251 = tpu.memref_squeeze %dma_start3A_250 : memref<1x8x2048xf32, #tpu.memory_space<vmem>> -> memref<8x2048xf32, #tpu.memory_space<vmem>>
        %dma_start3A_252 = tpu.memref_slice %arg5[%mul3A_246] : memref<512xi32, #tpu.memory_space<vmem>> -> memref<8xi32, #tpu.memory_space<vmem>>
        %dma_start3A_253 = arith.constant 0 : i32
        %dma_start3A_254 = arith.constant 0 : i32
        %dma_start3A_255 = tpu.memref_slice %arg2[%dma_start3A_253, %dma_start3A_254] : memref<16384x2048xf32, #tpu.memory_space<hbm>> -> memref<16384x2048xf32, #tpu.memory_space<hbm>>
        tpu.enqueue_indirect_dma source(%dma_start3A_255 : memref<16384x2048xf32, #tpu.memory_space<hbm>>) target(%dma_start3A_251 : memref<8x2048xf32, #tpu.memory_space<vmem>>) offsets(%dma_start3A_252 : memref<8xi32, #tpu.memory_space<vmem>>) semaphore(%arg7 : memref<!tpu.dma_semaphore, #tpu.memory_space<semaphore_mem>>)
      } else {
      }
      %lt3A_172 = arith.constant 64 : i32
      %lt3A_173 = arith.cmpi slt, %add3A_159, %lt3A_172 : i32
      %convert_element_type3A_174 = arith.extui %lt3A_173 : i1 to i32
      %cond3A_175 = arith.constant 0 : i32
      %cond3A_176 = arith.cmpi ne, %convert_element_type3A_174, %cond3A_175 : i32
      scf.if %cond3A_176 {
        %mul3A_241 = arith.constant 8 : i32
        %mul3A_242 = arith.muli %add3A_159, %mul3A_241 : i32
        %add3A_243 = arith.addi %mul3A_2, %mul3A_242 : i32
        %dma_start3A_244 = arith.constant 2 : i32
        %dma_start3A_245 = arith.constant 0 : i32
        %dma_start3A_246 = arith.constant 0 : i32
        %dma_start3A_247 = tpu.memref_slice %arg6[%dma_start3A_244, %dma_start3A_245, %dma_start3A_246] : memref<6x8x2048xf32, #tpu.memory_space<vmem>> -> memref<1x8x2048xf32, #tpu.memory_space<vmem>>
        %dma_start3A_248 = tpu.memref_squeeze %dma_start3A_247 : memref<1x8x2048xf32, #tpu.memory_space<vmem>> -> memref<8x2048xf32, #tpu.memory_space<vmem>>
        %dma_start3A_249 = arith.constant 0 : i32
        %dma_start3A_250 = tpu.memref_slice %arg4[%add3A_243, %dma_start3A_249] : memref<16384x2048xf32, #tpu.memory_space<hbm>> -> memref<8x2048xf32, #tpu.memory_space<hbm>>
        %dma_start3A_251 = arith.constant 0 : i32
        %dma_start3A_252 = tpu.memref_slice %arg4[%add3A_243, %dma_start3A_251] : memref<16384x2048xf32, #tpu.memory_space<hbm>> -> memref<8x2048xf32, #tpu.memory_space<hbm>>
        %dma_start3A_253 = arith.constant 0 : i32
        %dma_start3A_254 = arith.constant 0 : i32
        %dma_start3A_255 = tpu.memref_slice %arg6[%dma_start3A_244, %dma_start3A_253, %dma_start3A_254] : memref<6x8x2048xf32, #tpu.memory_space<vmem>> -> memref<1x8x2048xf32, #tpu.memory_space<vmem>>
        %dma_start3A_256 = tpu.memref_squeeze %dma_start3A_255 : memref<1x8x2048xf32, #tpu.memory_space<vmem>> -> memref<8x2048xf32, #tpu.memory_space<vmem>>
        tpu.enqueue_dma source(%dma_start3A_256 : memref<8x2048xf32, #tpu.memory_space<vmem>>) target(%dma_start3A_252 : memref<8x2048xf32, #tpu.memory_space<hbm>>) target_semaphore(%arg8 : memref<!tpu.dma_semaphore, #tpu.memory_space<semaphore_mem>>)
      } else {
      }
      %mul3A_177 = arith.constant 6 : i32
      %mul3A_178 = arith.muli %scan3A_115, %mul3A_177 : i32
      %add3A_179 = arith.constant 3 : i32
      %add3A_180 = arith.addi %mul3A_178, %add3A_179 : i32
      %add3A_181 = arith.constant 3 : i32
      %add3A_182 = arith.addi %add3A_180, %add3A_181 : i32
      %lt3A_183 = arith.constant 64 : i32
      %lt3A_184 = arith.cmpi slt, %add3A_180, %lt3A_183 : i32
      %convert_element_type3A_185 = arith.extui %lt3A_184 : i1 to i32
      %cond3A_186 = arith.constant 0 : i32
      %cond3A_187 = arith.cmpi ne, %convert_element_type3A_185, %cond3A_186 : i32
      scf.if %cond3A_187 {
        %dma_wait3A_241 = arith.constant 3 : i32
        %dma_wait3A_242 = arith.constant 0 : i32
        %dma_wait3A_243 = arith.constant 0 : i32
        %dma_wait3A_244 = tpu.memref_slice %arg6[%dma_wait3A_241, %dma_wait3A_242, %dma_wait3A_243] : memref<6x8x2048xf32, #tpu.memory_space<vmem>> -> memref<1x8x2048xf32, #tpu.memory_space<vmem>>
        %dma_wait3A_245 = tpu.memref_squeeze %dma_wait3A_244 : memref<1x8x2048xf32, #tpu.memory_space<vmem>> -> memref<8x2048xf32, #tpu.memory_space<vmem>>
        %dma_wait3A_246 = arith.constant 0 : i32
        %dma_wait3A_247 = tpu.memref_slice %arg5[%dma_wait3A_246] : memref<512xi32, #tpu.memory_space<vmem>> -> memref<8xi32, #tpu.memory_space<vmem>>
        %dma_wait3A_248 = arith.constant 0 : i32
        %dma_wait3A_249 = arith.constant 0 : i32
        %dma_wait3A_250 = tpu.memref_slice %arg2[%dma_wait3A_248, %dma_wait3A_249] : memref<16384x2048xf32, #tpu.memory_space<hbm>> -> memref<16384x2048xf32, #tpu.memory_space<hbm>>
        tpu.wait_indirect_dma semaphore(%arg7 : memref<!tpu.dma_semaphore, #tpu.memory_space<semaphore_mem>>) src(%dma_wait3A_250 : memref<16384x2048xf32, #tpu.memory_space<hbm>>) dst(%dma_wait3A_245 : memref<8x2048xf32, #tpu.memory_space<vmem>>)
      } else {
      }
      %lt3A_188 = arith.constant 64 : i32
      %lt3A_189 = arith.cmpi slt, %add3A_182, %lt3A_188 : i32
      %convert_element_type3A_190 = arith.extui %lt3A_189 : i1 to i32
      %cond3A_191 = arith.constant 0 : i32
      %cond3A_192 = arith.cmpi ne, %convert_element_type3A_190, %cond3A_191 : i32
      scf.if %cond3A_192 {
        %ge3A = arith.constant 6 : i32
        %ge3A_241 = arith.cmpi sge, %add3A_182, %ge3A : i32
        %convert_element_type3A_242 = arith.extui %ge3A_241 : i1 to i32
        %cond3A_243 = arith.constant 0 : i32
        %cond3A_244 = arith.cmpi ne, %convert_element_type3A_242, %cond3A_243 : i32
        scf.if %cond3A_244 {
          %dma_wait3A_256 = arith.constant 0 : i32
          %dma_wait3A_257 = arith.constant 0 : i32
          %dma_wait3A_258 = arith.constant 0 : i32
          %dma_wait3A_259 = tpu.memref_slice %arg6[%dma_wait3A_256, %dma_wait3A_257, %dma_wait3A_258] : memref<6x8x2048xf32, #tpu.memory_space<vmem>> -> memref<1x8x2048xf32, #tpu.memory_space<vmem>>
          %dma_wait3A_260 = tpu.memref_squeeze %dma_wait3A_259 : memref<1x8x2048xf32, #tpu.memory_space<vmem>> -> memref<8x2048xf32, #tpu.memory_space<vmem>>
          %dma_wait3A_261 = arith.constant 0 : i32
          %dma_wait3A_262 = tpu.memref_slice %arg4[%mul3A_2, %dma_wait3A_261] : memref<16384x2048xf32, #tpu.memory_space<hbm>> -> memref<8x2048xf32, #tpu.memory_space<hbm>>
          %dma_wait3A_263 = arith.constant 0 : i32
          %dma_wait3A_264 = tpu.memref_slice %arg4[%mul3A_2, %dma_wait3A_263] : memref<16384x2048xf32, #tpu.memory_space<hbm>> -> memref<8x2048xf32, #tpu.memory_space<hbm>>
          %dma_wait3A_265 = arith.constant 0 : i32
          %dma_wait3A_266 = arith.constant 0 : i32
          %dma_wait3A_267 = tpu.memref_slice %arg6[%dma_wait3A_256, %dma_wait3A_265, %dma_wait3A_266] : memref<6x8x2048xf32, #tpu.memory_space<vmem>> -> memref<1x8x2048xf32, #tpu.memory_space<vmem>>
          %dma_wait3A_268 = tpu.memref_squeeze %dma_wait3A_267 : memref<1x8x2048xf32, #tpu.memory_space<vmem>> -> memref<8x2048xf32, #tpu.memory_space<vmem>>
          tpu.wait_dma2 semaphore(%arg8 : memref<!tpu.dma_semaphore, #tpu.memory_space<semaphore_mem>>) src(%dma_wait3A_268 : memref<8x2048xf32, #tpu.memory_space<vmem>>) dst(%dma_wait3A_264 : memref<8x2048xf32, #tpu.memory_space<hbm>>)
        } else {
        }
        %mul3A_245 = arith.constant 8 : i32
        %mul3A_246 = arith.muli %add3A_182, %mul3A_245 : i32
        %dma_start3A_247 = arith.constant 0 : i32
        %dma_start3A_248 = arith.constant 0 : i32
        %dma_start3A_249 = arith.constant 0 : i32
        %dma_start3A_250 = tpu.memref_slice %arg6[%dma_start3A_247, %dma_start3A_248, %dma_start3A_249] : memref<6x8x2048xf32, #tpu.memory_space<vmem>> -> memref<1x8x2048xf32, #tpu.memory_space<vmem>>
        %dma_start3A_251 = tpu.memref_squeeze %dma_start3A_250 : memref<1x8x2048xf32, #tpu.memory_space<vmem>> -> memref<8x2048xf32, #tpu.memory_space<vmem>>
        %dma_start3A_252 = tpu.memref_slice %arg5[%mul3A_246] : memref<512xi32, #tpu.memory_space<vmem>> -> memref<8xi32, #tpu.memory_space<vmem>>
        %dma_start3A_253 = arith.constant 0 : i32
        %dma_start3A_254 = arith.constant 0 : i32
        %dma_start3A_255 = tpu.memref_slice %arg2[%dma_start3A_253, %dma_start3A_254] : memref<16384x2048xf32, #tpu.memory_space<hbm>> -> memref<16384x2048xf32, #tpu.memory_space<hbm>>
        tpu.enqueue_indirect_dma source(%dma_start3A_255 : memref<16384x2048xf32, #tpu.memory_space<hbm>>) target(%dma_start3A_251 : memref<8x2048xf32, #tpu.memory_space<vmem>>) offsets(%dma_start3A_252 : memref<8xi32, #tpu.memory_space<vmem>>) semaphore(%arg7 : memref<!tpu.dma_semaphore, #tpu.memory_space<semaphore_mem>>)
      } else {
      }
      %lt3A_193 = arith.constant 64 : i32
      %lt3A_194 = arith.cmpi slt, %add3A_180, %lt3A_193 : i32
      %convert_element_type3A_195 = arith.extui %lt3A_194 : i1 to i32
      %cond3A_196 = arith.constant 0 : i32
      %cond3A_197 = arith.cmpi ne, %convert_element_type3A_195, %cond3A_196 : i32
      scf.if %cond3A_197 {
        %mul3A_241 = arith.constant 8 : i32
        %mul3A_242 = arith.muli %add3A_180, %mul3A_241 : i32
        %add3A_243 = arith.addi %mul3A_2, %mul3A_242 : i32
        %dma_start3A_244 = arith.constant 3 : i32
        %dma_start3A_245 = arith.constant 0 : i32
        %dma_start3A_246 = arith.constant 0 : i32
        %dma_start3A_247 = tpu.memref_slice %arg6[%dma_start3A_244, %dma_start3A_245, %dma_start3A_246] : memref<6x8x2048xf32, #tpu.memory_space<vmem>> -> memref<1x8x2048xf32, #tpu.memory_space<vmem>>
        %dma_start3A_248 = tpu.memref_squeeze %dma_start3A_247 : memref<1x8x2048xf32, #tpu.memory_space<vmem>> -> memref<8x2048xf32, #tpu.memory_space<vmem>>
        %dma_start3A_249 = arith.constant 0 : i32
        %dma_start3A_250 = tpu.memref_slice %arg4[%add3A_243, %dma_start3A_249] : memref<16384x2048xf32, #tpu.memory_space<hbm>> -> memref<8x2048xf32, #tpu.memory_space<hbm>>
        %dma_start3A_251 = arith.constant 0 : i32
        %dma_start3A_252 = tpu.memref_slice %arg4[%add3A_243, %dma_start3A_251] : memref<16384x2048xf32, #tpu.memory_space<hbm>> -> memref<8x2048xf32, #tpu.memory_space<hbm>>
        %dma_start3A_253 = arith.constant 0 : i32
        %dma_start3A_254 = arith.constant 0 : i32
        %dma_start3A_255 = tpu.memref_slice %arg6[%dma_start3A_244, %dma_start3A_253, %dma_start3A_254] : memref<6x8x2048xf32, #tpu.memory_space<vmem>> -> memref<1x8x2048xf32, #tpu.memory_space<vmem>>
        %dma_start3A_256 = tpu.memref_squeeze %dma_start3A_255 : memref<1x8x2048xf32, #tpu.memory_space<vmem>> -> memref<8x2048xf32, #tpu.memory_space<vmem>>
        tpu.enqueue_dma source(%dma_start3A_256 : memref<8x2048xf32, #tpu.memory_space<vmem>>) target(%dma_start3A_252 : memref<8x2048xf32, #tpu.memory_space<hbm>>) target_semaphore(%arg8 : memref<!tpu.dma_semaphore, #tpu.memory_space<semaphore_mem>>)
      } else {
      }
      %mul3A_198 = arith.constant 6 : i32
      %mul3A_199 = arith.muli %scan3A_115, %mul3A_198 : i32
      %add3A_200 = arith.constant 4 : i32
      %add3A_201 = arith.addi %mul3A_199, %add3A_200 : i32
      %add3A_202 = arith.constant 3 : i32
      %add3A_203 = arith.addi %add3A_201, %add3A_202 : i32
      %lt3A_204 = arith.constant 64 : i32
      %lt3A_205 = arith.cmpi slt, %add3A_201, %lt3A_204 : i32
      %convert_element_type3A_206 = arith.extui %lt3A_205 : i1 to i32
      %cond3A_207 = arith.constant 0 : i32
      %cond3A_208 = arith.cmpi ne, %convert_element_type3A_206, %cond3A_207 : i32
      scf.if %cond3A_208 {
        %dma_wait3A_241 = arith.constant 4 : i32
        %dma_wait3A_242 = arith.constant 0 : i32
        %dma_wait3A_243 = arith.constant 0 : i32
        %dma_wait3A_244 = tpu.memref_slice %arg6[%dma_wait3A_241, %dma_wait3A_242, %dma_wait3A_243] : memref<6x8x2048xf32, #tpu.memory_space<vmem>> -> memref<1x8x2048xf32, #tpu.memory_space<vmem>>
        %dma_wait3A_245 = tpu.memref_squeeze %dma_wait3A_244 : memref<1x8x2048xf32, #tpu.memory_space<vmem>> -> memref<8x2048xf32, #tpu.memory_space<vmem>>
        %dma_wait3A_246 = arith.constant 0 : i32
        %dma_wait3A_247 = tpu.memref_slice %arg5[%dma_wait3A_246] : memref<512xi32, #tpu.memory_space<vmem>> -> memref<8xi32, #tpu.memory_space<vmem>>
        %dma_wait3A_248 = arith.constant 0 : i32
        %dma_wait3A_249 = arith.constant 0 : i32
        %dma_wait3A_250 = tpu.memref_slice %arg2[%dma_wait3A_248, %dma_wait3A_249] : memref<16384x2048xf32, #tpu.memory_space<hbm>> -> memref<16384x2048xf32, #tpu.memory_space<hbm>>
        tpu.wait_indirect_dma semaphore(%arg7 : memref<!tpu.dma_semaphore, #tpu.memory_space<semaphore_mem>>) src(%dma_wait3A_250 : memref<16384x2048xf32, #tpu.memory_space<hbm>>) dst(%dma_wait3A_245 : memref<8x2048xf32, #tpu.memory_space<vmem>>)
      } else {
      }
      %lt3A_209 = arith.constant 64 : i32
      %lt3A_210 = arith.cmpi slt, %add3A_203, %lt3A_209 : i32
      %convert_element_type3A_211 = arith.extui %lt3A_210 : i1 to i32
      %cond3A_212 = arith.constant 0 : i32
      %cond3A_213 = arith.cmpi ne, %convert_element_type3A_211, %cond3A_212 : i32
      scf.if %cond3A_213 {
        %ge3A = arith.constant 6 : i32
        %ge3A_241 = arith.cmpi sge, %add3A_203, %ge3A : i32
        %convert_element_type3A_242 = arith.extui %ge3A_241 : i1 to i32
        %cond3A_243 = arith.constant 0 : i32
        %cond3A_244 = arith.cmpi ne, %convert_element_type3A_242, %cond3A_243 : i32
        scf.if %cond3A_244 {
          %dma_wait3A_256 = arith.constant 1 : i32
          %dma_wait3A_257 = arith.constant 0 : i32
          %dma_wait3A_258 = arith.constant 0 : i32
          %dma_wait3A_259 = tpu.memref_slice %arg6[%dma_wait3A_256, %dma_wait3A_257, %dma_wait3A_258] : memref<6x8x2048xf32, #tpu.memory_space<vmem>> -> memref<1x8x2048xf32, #tpu.memory_space<vmem>>
          %dma_wait3A_260 = tpu.memref_squeeze %dma_wait3A_259 : memref<1x8x2048xf32, #tpu.memory_space<vmem>> -> memref<8x2048xf32, #tpu.memory_space<vmem>>
          %dma_wait3A_261 = arith.constant 0 : i32
          %dma_wait3A_262 = tpu.memref_slice %arg4[%mul3A_2, %dma_wait3A_261] : memref<16384x2048xf32, #tpu.memory_space<hbm>> -> memref<8x2048xf32, #tpu.memory_space<hbm>>
          %dma_wait3A_263 = arith.constant 0 : i32
          %dma_wait3A_264 = tpu.memref_slice %arg4[%mul3A_2, %dma_wait3A_263] : memref<16384x2048xf32, #tpu.memory_space<hbm>> -> memref<8x2048xf32, #tpu.memory_space<hbm>>
          %dma_wait3A_265 = arith.constant 0 : i32
          %dma_wait3A_266 = arith.constant 0 : i32
          %dma_wait3A_267 = tpu.memref_slice %arg6[%dma_wait3A_256, %dma_wait3A_265, %dma_wait3A_266] : memref<6x8x2048xf32, #tpu.memory_space<vmem>> -> memref<1x8x2048xf32, #tpu.memory_space<vmem>>
          %dma_wait3A_268 = tpu.memref_squeeze %dma_wait3A_267 : memref<1x8x2048xf32, #tpu.memory_space<vmem>> -> memref<8x2048xf32, #tpu.memory_space<vmem>>
          tpu.wait_dma2 semaphore(%arg8 : memref<!tpu.dma_semaphore, #tpu.memory_space<semaphore_mem>>) src(%dma_wait3A_268 : memref<8x2048xf32, #tpu.memory_space<vmem>>) dst(%dma_wait3A_264 : memref<8x2048xf32, #tpu.memory_space<hbm>>)
        } else {
        }
        %mul3A_245 = arith.constant 8 : i32
        %mul3A_246 = arith.muli %add3A_203, %mul3A_245 : i32
        %dma_start3A_247 = arith.constant 1 : i32
        %dma_start3A_248 = arith.constant 0 : i32
        %dma_start3A_249 = arith.constant 0 : i32
        %dma_start3A_250 = tpu.memref_slice %arg6[%dma_start3A_247, %dma_start3A_248, %dma_start3A_249] : memref<6x8x2048xf32, #tpu.memory_space<vmem>> -> memref<1x8x2048xf32, #tpu.memory_space<vmem>>
        %dma_start3A_251 = tpu.memref_squeeze %dma_start3A_250 : memref<1x8x2048xf32, #tpu.memory_space<vmem>> -> memref<8x2048xf32, #tpu.memory_space<vmem>>
        %dma_start3A_252 = tpu.memref_slice %arg5[%mul3A_246] : memref<512xi32, #tpu.memory_space<vmem>> -> memref<8xi32, #tpu.memory_space<vmem>>
        %dma_start3A_253 = arith.constant 0 : i32
        %dma_start3A_254 = arith.constant 0 : i32
        %dma_start3A_255 = tpu.memref_slice %arg2[%dma_start3A_253, %dma_start3A_254] : memref<16384x2048xf32, #tpu.memory_space<hbm>> -> memref<16384x2048xf32, #tpu.memory_space<hbm>>
        tpu.enqueue_indirect_dma source(%dma_start3A_255 : memref<16384x2048xf32, #tpu.memory_space<hbm>>) target(%dma_start3A_251 : memref<8x2048xf32, #tpu.memory_space<vmem>>) offsets(%dma_start3A_252 : memref<8xi32, #tpu.memory_space<vmem>>) semaphore(%arg7 : memref<!tpu.dma_semaphore, #tpu.memory_space<semaphore_mem>>)
      } else {
      }
      %lt3A_214 = arith.constant 64 : i32
      %lt3A_215 = arith.cmpi slt, %add3A_201, %lt3A_214 : i32
      %convert_element_type3A_216 = arith.extui %lt3A_215 : i1 to i32
      %cond3A_217 = arith.constant 0 : i32
      %cond3A_218 = arith.cmpi ne, %convert_element_type3A_216, %cond3A_217 : i32
      scf.if %cond3A_218 {
        %mul3A_241 = arith.constant 8 : i32
        %mul3A_242 = arith.muli %add3A_201, %mul3A_241 : i32
        %add3A_243 = arith.addi %mul3A_2, %mul3A_242 : i32
        %dma_start3A_244 = arith.constant 4 : i32
        %dma_start3A_245 = arith.constant 0 : i32
        %dma_start3A_246 = arith.constant 0 : i32
        %dma_start3A_247 = tpu.memref_slice %arg6[%dma_start3A_244, %dma_start3A_245, %dma_start3A_246] : memref<6x8x2048xf32, #tpu.memory_space<vmem>> -> memref<1x8x2048xf32, #tpu.memory_space<vmem>>
        %dma_start3A_248 = tpu.memref_squeeze %dma_start3A_247 : memref<1x8x2048xf32, #tpu.memory_space<vmem>> -> memref<8x2048xf32, #tpu.memory_space<vmem>>
        %dma_start3A_249 = arith.constant 0 : i32
        %dma_start3A_250 = tpu.memref_slice %arg4[%add3A_243, %dma_start3A_249] : memref<16384x2048xf32, #tpu.memory_space<hbm>> -> memref<8x2048xf32, #tpu.memory_space<hbm>>
        %dma_start3A_251 = arith.constant 0 : i32
        %dma_start3A_252 = tpu.memref_slice %arg4[%add3A_243, %dma_start3A_251] : memref<16384x2048xf32, #tpu.memory_space<hbm>> -> memref<8x2048xf32, #tpu.memory_space<hbm>>
        %dma_start3A_253 = arith.constant 0 : i32
        %dma_start3A_254 = arith.constant 0 : i32
        %dma_start3A_255 = tpu.memref_slice %arg6[%dma_start3A_244, %dma_start3A_253, %dma_start3A_254] : memref<6x8x2048xf32, #tpu.memory_space<vmem>> -> memref<1x8x2048xf32, #tpu.memory_space<vmem>>
        %dma_start3A_256 = tpu.memref_squeeze %dma_start3A_255 : memref<1x8x2048xf32, #tpu.memory_space<vmem>> -> memref<8x2048xf32, #tpu.memory_space<vmem>>
        tpu.enqueue_dma source(%dma_start3A_256 : memref<8x2048xf32, #tpu.memory_space<vmem>>) target(%dma_start3A_252 : memref<8x2048xf32, #tpu.memory_space<hbm>>) target_semaphore(%arg8 : memref<!tpu.dma_semaphore, #tpu.memory_space<semaphore_mem>>)
      } else {
      }
      %mul3A_219 = arith.constant 6 : i32
      %mul3A_220 = arith.muli %scan3A_115, %mul3A_219 : i32
      %add3A_221 = arith.constant 5 : i32
      %add3A_222 = arith.addi %mul3A_220, %add3A_221 : i32
      %add3A_223 = arith.constant 3 : i32
      %add3A_224 = arith.addi %add3A_222, %add3A_223 : i32
      %lt3A_225 = arith.constant 64 : i32
      %lt3A_226 = arith.cmpi slt, %add3A_222, %lt3A_225 : i32
      %convert_element_type3A_227 = arith.extui %lt3A_226 : i1 to i32
      %cond3A_228 = arith.constant 0 : i32
      %cond3A_229 = arith.cmpi ne, %convert_element_type3A_227, %cond3A_228 : i32
      scf.if %cond3A_229 {
        %dma_wait3A_241 = arith.constant 5 : i32
        %dma_wait3A_242 = arith.constant 0 : i32
        %dma_wait3A_243 = arith.constant 0 : i32
        %dma_wait3A_244 = tpu.memref_slice %arg6[%dma_wait3A_241, %dma_wait3A_242, %dma_wait3A_243] : memref<6x8x2048xf32, #tpu.memory_space<vmem>> -> memref<1x8x2048xf32, #tpu.memory_space<vmem>>
        %dma_wait3A_245 = tpu.memref_squeeze %dma_wait3A_244 : memref<1x8x2048xf32, #tpu.memory_space<vmem>> -> memref<8x2048xf32, #tpu.memory_space<vmem>>
        %dma_wait3A_246 = arith.constant 0 : i32
        %dma_wait3A_247 = tpu.memref_slice %arg5[%dma_wait3A_246] : memref<512xi32, #tpu.memory_space<vmem>> -> memref<8xi32, #tpu.memory_space<vmem>>
        %dma_wait3A_248 = arith.constant 0 : i32
        %dma_wait3A_249 = arith.constant 0 : i32
        %dma_wait3A_250 = tpu.memref_slice %arg2[%dma_wait3A_248, %dma_wait3A_249] : memref<16384x2048xf32, #tpu.memory_space<hbm>> -> memref<16384x2048xf32, #tpu.memory_space<hbm>>
        tpu.wait_indirect_dma semaphore(%arg7 : memref<!tpu.dma_semaphore, #tpu.memory_space<semaphore_mem>>) src(%dma_wait3A_250 : memref<16384x2048xf32, #tpu.memory_space<hbm>>) dst(%dma_wait3A_245 : memref<8x2048xf32, #tpu.memory_space<vmem>>)
      } else {
      }
      %lt3A_230 = arith.constant 64 : i32
      %lt3A_231 = arith.cmpi slt, %add3A_224, %lt3A_230 : i32
      %convert_element_type3A_232 = arith.extui %lt3A_231 : i1 to i32
      %cond3A_233 = arith.constant 0 : i32
      %cond3A_234 = arith.cmpi ne, %convert_element_type3A_232, %cond3A_233 : i32
      scf.if %cond3A_234 {
        %ge3A = arith.constant 6 : i32
        %ge3A_241 = arith.cmpi sge, %add3A_224, %ge3A : i32
        %convert_element_type3A_242 = arith.extui %ge3A_241 : i1 to i32
        %cond3A_243 = arith.constant 0 : i32
        %cond3A_244 = arith.cmpi ne, %convert_element_type3A_242, %cond3A_243 : i32
        scf.if %cond3A_244 {
          %dma_wait3A_256 = arith.constant 2 : i32
          %dma_wait3A_257 = arith.constant 0 : i32
          %dma_wait3A_258 = arith.constant 0 : i32
          %dma_wait3A_259 = tpu.memref_slice %arg6[%dma_wait3A_256, %dma_wait3A_257, %dma_wait3A_258] : memref<6x8x2048xf32, #tpu.memory_space<vmem>> -> memref<1x8x2048xf32, #tpu.memory_space<vmem>>
          %dma_wait3A_260 = tpu.memref_squeeze %dma_wait3A_259 : memref<1x8x2048xf32, #tpu.memory_space<vmem>> -> memref<8x2048xf32, #tpu.memory_space<vmem>>
          %dma_wait3A_261 = arith.constant 0 : i32
          %dma_wait3A_262 = tpu.memref_slice %arg4[%mul3A_2, %dma_wait3A_261] : memref<16384x2048xf32, #tpu.memory_space<hbm>> -> memref<8x2048xf32, #tpu.memory_space<hbm>>
          %dma_wait3A_263 = arith.constant 0 : i32
          %dma_wait3A_264 = tpu.memref_slice %arg4[%mul3A_2, %dma_wait3A_263] : memref<16384x2048xf32, #tpu.memory_space<hbm>> -> memref<8x2048xf32, #tpu.memory_space<hbm>>
          %dma_wait3A_265 = arith.constant 0 : i32
          %dma_wait3A_266 = arith.constant 0 : i32
          %dma_wait3A_267 = tpu.memref_slice %arg6[%dma_wait3A_256, %dma_wait3A_265, %dma_wait3A_266] : memref<6x8x2048xf32, #tpu.memory_space<vmem>> -> memref<1x8x2048xf32, #tpu.memory_space<vmem>>
          %dma_wait3A_268 = tpu.memref_squeeze %dma_wait3A_267 : memref<1x8x2048xf32, #tpu.memory_space<vmem>> -> memref<8x2048xf32, #tpu.memory_space<vmem>>
          tpu.wait_dma2 semaphore(%arg8 : memref<!tpu.dma_semaphore, #tpu.memory_space<semaphore_mem>>) src(%dma_wait3A_268 : memref<8x2048xf32, #tpu.memory_space<vmem>>) dst(%dma_wait3A_264 : memref<8x2048xf32, #tpu.memory_space<hbm>>)
        } else {
        }
        %mul3A_245 = arith.constant 8 : i32
        %mul3A_246 = arith.muli %add3A_224, %mul3A_245 : i32
        %dma_start3A_247 = arith.constant 2 : i32
        %dma_start3A_248 = arith.constant 0 : i32
        %dma_start3A_249 = arith.constant 0 : i32
        %dma_start3A_250 = tpu.memref_slice %arg6[%dma_start3A_247, %dma_start3A_248, %dma_start3A_249] : memref<6x8x2048xf32, #tpu.memory_space<vmem>> -> memref<1x8x2048xf32, #tpu.memory_space<vmem>>
        %dma_start3A_251 = tpu.memref_squeeze %dma_start3A_250 : memref<1x8x2048xf32, #tpu.memory_space<vmem>> -> memref<8x2048xf32, #tpu.memory_space<vmem>>
        %dma_start3A_252 = tpu.memref_slice %arg5[%mul3A_246] : memref<512xi32, #tpu.memory_space<vmem>> -> memref<8xi32, #tpu.memory_space<vmem>>
        %dma_start3A_253 = arith.constant 0 : i32
        %dma_start3A_254 = arith.constant 0 : i32
        %dma_start3A_255 = tpu.memref_slice %arg2[%dma_start3A_253, %dma_start3A_254] : memref<16384x2048xf32, #tpu.memory_space<hbm>> -> memref<16384x2048xf32, #tpu.memory_space<hbm>>
        tpu.enqueue_indirect_dma source(%dma_start3A_255 : memref<16384x2048xf32, #tpu.memory_space<hbm>>) target(%dma_start3A_251 : memref<8x2048xf32, #tpu.memory_space<vmem>>) offsets(%dma_start3A_252 : memref<8xi32, #tpu.memory_space<vmem>>) semaphore(%arg7 : memref<!tpu.dma_semaphore, #tpu.memory_space<semaphore_mem>>)
      } else {
      }
      %lt3A_235 = arith.constant 64 : i32
      %lt3A_236 = arith.cmpi slt, %add3A_222, %lt3A_235 : i32
      %convert_element_type3A_237 = arith.extui %lt3A_236 : i1 to i32
      %cond3A_238 = arith.constant 0 : i32
      %cond3A_239 = arith.cmpi ne, %convert_element_type3A_237, %cond3A_238 : i32
      scf.if %cond3A_239 {
        %mul3A_241 = arith.constant 8 : i32
        %mul3A_242 = arith.muli %add3A_222, %mul3A_241 : i32
        %add3A_243 = arith.addi %mul3A_2, %mul3A_242 : i32
        %dma_start3A_244 = arith.constant 5 : i32
        %dma_start3A_245 = arith.constant 0 : i32
        %dma_start3A_246 = arith.constant 0 : i32
        %dma_start3A_247 = tpu.memref_slice %arg6[%dma_start3A_244, %dma_start3A_245, %dma_start3A_246] : memref<6x8x2048xf32, #tpu.memory_space<vmem>> -> memref<1x8x2048xf32, #tpu.memory_space<vmem>>
        %dma_start3A_248 = tpu.memref_squeeze %dma_start3A_247 : memref<1x8x2048xf32, #tpu.memory_space<vmem>> -> memref<8x2048xf32, #tpu.memory_space<vmem>>
        %dma_start3A_249 = arith.constant 0 : i32
        %dma_start3A_250 = tpu.memref_slice %arg4[%add3A_243, %dma_start3A_249] : memref<16384x2048xf32, #tpu.memory_space<hbm>> -> memref<8x2048xf32, #tpu.memory_space<hbm>>
        %dma_start3A_251 = arith.constant 0 : i32
        %dma_start3A_252 = tpu.memref_slice %arg4[%add3A_243, %dma_start3A_251] : memref<16384x2048xf32, #tpu.memory_space<hbm>> -> memref<8x2048xf32, #tpu.memory_space<hbm>>
        %dma_start3A_253 = arith.constant 0 : i32
        %dma_start3A_254 = arith.constant 0 : i32
        %dma_start3A_255 = tpu.memref_slice %arg6[%dma_start3A_244, %dma_start3A_253, %dma_start3A_254] : memref<6x8x2048xf32, #tpu.memory_space<vmem>> -> memref<1x8x2048xf32, #tpu.memory_space<vmem>>
        %dma_start3A_256 = tpu.memref_squeeze %dma_start3A_255 : memref<1x8x2048xf32, #tpu.memory_space<vmem>> -> memref<8x2048xf32, #tpu.memory_space<vmem>>
        tpu.enqueue_dma source(%dma_start3A_256 : memref<8x2048xf32, #tpu.memory_space<vmem>>) target(%dma_start3A_252 : memref<8x2048xf32, #tpu.memory_space<hbm>>) target_semaphore(%arg8 : memref<!tpu.dma_semaphore, #tpu.memory_space<semaphore_mem>>)
      } else {
      }
      %scan3A_240 = arith.constant 0 : i32
      scf.yield %scan3A_240 : i32
    }
    %scan3A_37 = arith.constant 11 : i32
    %dma_wait3A = arith.constant 0 : i32
    %dma_wait3A_38 = arith.constant 0 : i32
    %dma_wait3A_39 = arith.constant 0 : i32
    %dma_wait3A_40 = tpu.memref_slice %arg6[%dma_wait3A, %dma_wait3A_38, %dma_wait3A_39] : memref<6x8x2048xf32, #tpu.memory_space<vmem>> -> memref<1x8x2048xf32, #tpu.memory_space<vmem>>
    %dma_wait3A_41 = tpu.memref_squeeze %dma_wait3A_40 : memref<1x8x2048xf32, #tpu.memory_space<vmem>> -> memref<8x2048xf32, #tpu.memory_space<vmem>>
    %dma_wait3A_42 = arith.constant 0 : i32
    %dma_wait3A_43 = tpu.memref_slice %arg4[%mul3A_2, %dma_wait3A_42] : memref<16384x2048xf32, #tpu.memory_space<hbm>> -> memref<8x2048xf32, #tpu.memory_space<hbm>>
    %dma_wait3A_44 = arith.constant 0 : i32
    %dma_wait3A_45 = tpu.memref_slice %arg4[%mul3A_2, %dma_wait3A_44] : memref<16384x2048xf32, #tpu.memory_space<hbm>> -> memref<8x2048xf32, #tpu.memory_space<hbm>>
    %dma_wait3A_46 = arith.constant 0 : i32
    %dma_wait3A_47 = arith.constant 0 : i32
    %dma_wait3A_48 = tpu.memref_slice %arg6[%dma_wait3A, %dma_wait3A_46, %dma_wait3A_47] : memref<6x8x2048xf32, #tpu.memory_space<vmem>> -> memref<1x8x2048xf32, #tpu.memory_space<vmem>>
    %dma_wait3A_49 = tpu.memref_squeeze %dma_wait3A_48 : memref<1x8x2048xf32, #tpu.memory_space<vmem>> -> memref<8x2048xf32, #tpu.memory_space<vmem>>
    tpu.wait_dma2 semaphore(%arg8 : memref<!tpu.dma_semaphore, #tpu.memory_space<semaphore_mem>>) src(%dma_wait3A_49 : memref<8x2048xf32, #tpu.memory_space<vmem>>) dst(%dma_wait3A_45 : memref<8x2048xf32, #tpu.memory_space<hbm>>)
    %dma_wait3A_50 = arith.constant 0 : i32
    %dma_wait3A_51 = arith.constant 0 : i32
    %dma_wait3A_52 = arith.constant 0 : i32
    %dma_wait3A_53 = tpu.memref_slice %arg6[%dma_wait3A_50, %dma_wait3A_51, %dma_wait3A_52] : memref<6x8x2048xf32, #tpu.memory_space<vmem>> -> memref<1x8x2048xf32, #tpu.memory_space<vmem>>
    %dma_wait3A_54 = tpu.memref_squeeze %dma_wait3A_53 : memref<1x8x2048xf32, #tpu.memory_space<vmem>> -> memref<8x2048xf32, #tpu.memory_space<vmem>>
    %dma_wait3A_55 = arith.constant 0 : i32
    %dma_wait3A_56 = tpu.memref_slice %arg4[%mul3A_2, %dma_wait3A_55] : memref<16384x2048xf32, #tpu.memory_space<hbm>> -> memref<8x2048xf32, #tpu.memory_space<hbm>>
    %dma_wait3A_57 = arith.constant 0 : i32
    %dma_wait3A_58 = tpu.memref_slice %arg4[%mul3A_2, %dma_wait3A_57] : memref<16384x2048xf32, #tpu.memory_space<hbm>> -> memref<8x2048xf32, #tpu.memory_space<hbm>>
    %dma_wait3A_59 = arith.constant 0 : i32
    %dma_wait3A_60 = arith.constant 0 : i32
    %dma_wait3A_61 = tpu.memref_slice %arg6[%dma_wait3A_50, %dma_wait3A_59, %dma_wait3A_60] : memref<6x8x2048xf32, #tpu.memory_space<vmem>> -> memref<1x8x2048xf32, #tpu.memory_space<vmem>>
    %dma_wait3A_62 = tpu.memref_squeeze %dma_wait3A_61 : memref<1x8x2048xf32, #tpu.memory_space<vmem>> -> memref<8x2048xf32, #tpu.memory_space<vmem>>
    tpu.wait_dma2 semaphore(%arg8 : memref<!tpu.dma_semaphore, #tpu.memory_space<semaphore_mem>>) src(%dma_wait3A_62 : memref<8x2048xf32, #tpu.memory_space<vmem>>) dst(%dma_wait3A_58 : memref<8x2048xf32, #tpu.memory_space<hbm>>)
    %dma_wait3A_63 = arith.constant 0 : i32
    %dma_wait3A_64 = arith.constant 0 : i32
    %dma_wait3A_65 = arith.constant 0 : i32
    %dma_wait3A_66 = tpu.memref_slice %arg6[%dma_wait3A_63, %dma_wait3A_64, %dma_wait3A_65] : memref<6x8x2048xf32, #tpu.memory_space<vmem>> -> memref<1x8x2048xf32, #tpu.memory_space<vmem>>
    %dma_wait3A_67 = tpu.memref_squeeze %dma_wait3A_66 : memref<1x8x2048xf32, #tpu.memory_space<vmem>> -> memref<8x2048xf32, #tpu.memory_space<vmem>>
    %dma_wait3A_68 = arith.constant 0 : i32
    %dma_wait3A_69 = tpu.memref_slice %arg4[%mul3A_2, %dma_wait3A_68] : memref<16384x2048xf32, #tpu.memory_space<hbm>> -> memref<8x2048xf32, #tpu.memory_space<hbm>>
    %dma_wait3A_70 = arith.constant 0 : i32
    %dma_wait3A_71 = tpu.memref_slice %arg4[%mul3A_2, %dma_wait3A_70] : memref<16384x2048xf32, #tpu.memory_space<hbm>> -> memref<8x2048xf32, #tpu.memory_space<hbm>>
    %dma_wait3A_72 = arith.constant 0 : i32
    %dma_wait3A_73 = arith.constant 0 : i32
    %dma_wait3A_74 = tpu.memref_slice %arg6[%dma_wait3A_63, %dma_wait3A_72, %dma_wait3A_73] : memref<6x8x2048xf32, #tpu.memory_space<vmem>> -> memref<1x8x2048xf32, #tpu.memory_space<vmem>>
    %dma_wait3A_75 = tpu.memref_squeeze %dma_wait3A_74 : memref<1x8x2048xf32, #tpu.memory_space<vmem>> -> memref<8x2048xf32, #tpu.memory_space<vmem>>
    tpu.wait_dma2 semaphore(%arg8 : memref<!tpu.dma_semaphore, #tpu.memory_space<semaphore_mem>>) src(%dma_wait3A_75 : memref<8x2048xf32, #tpu.memory_space<vmem>>) dst(%dma_wait3A_71 : memref<8x2048xf32, #tpu.memory_space<hbm>>)
    %dma_wait3A_76 = arith.constant 0 : i32
    %dma_wait3A_77 = arith.constant 0 : i32
    %dma_wait3A_78 = arith.constant 0 : i32
    %dma_wait3A_79 = tpu.memref_slice %arg6[%dma_wait3A_76, %dma_wait3A_77, %dma_wait3A_78] : memref<6x8x2048xf32, #tpu.memory_space<vmem>> -> memref<1x8x2048xf32, #tpu.memory_space<vmem>>
    %dma_wait3A_80 = tpu.memref_squeeze %dma_wait3A_79 : memref<1x8x2048xf32, #tpu.memory_space<vmem>> -> memref<8x2048xf32, #tpu.memory_space<vmem>>
    %dma_wait3A_81 = arith.constant 0 : i32
    %dma_wait3A_82 = tpu.memref_slice %arg4[%mul3A_2, %dma_wait3A_81] : memref<16384x2048xf32, #tpu.memory_space<hbm>> -> memref<8x2048xf32, #tpu.memory_space<hbm>>
    %dma_wait3A_83 = arith.constant 0 : i32
    %dma_wait3A_84 = tpu.memref_slice %arg4[%mul3A_2, %dma_wait3A_83] : memref<16384x2048xf32, #tpu.memory_space<hbm>> -> memref<8x2048xf32, #tpu.memory_space<hbm>>
    %dma_wait3A_85 = arith.constant 0 : i32
    %dma_wait3A_86 = arith.constant 0 : i32
    %dma_wait3A_87 = tpu.memref_slice %arg6[%dma_wait3A_76, %dma_wait3A_85, %dma_wait3A_86] : memref<6x8x2048xf32, #tpu.memory_space<vmem>> -> memref<1x8x2048xf32, #tpu.memory_space<vmem>>
    %dma_wait3A_88 = tpu.memref_squeeze %dma_wait3A_87 : memref<1x8x2048xf32, #tpu.memory_space<vmem>> -> memref<8x2048xf32, #tpu.memory_space<vmem>>
    tpu.wait_dma2 semaphore(%arg8 : memref<!tpu.dma_semaphore, #tpu.memory_space<semaphore_mem>>) src(%dma_wait3A_88 : memref<8x2048xf32, #tpu.memory_space<vmem>>) dst(%dma_wait3A_84 : memref<8x2048xf32, #tpu.memory_space<hbm>>)
    %dma_wait3A_89 = arith.constant 0 : i32
    %dma_wait3A_90 = arith.constant 0 : i32
    %dma_wait3A_91 = arith.constant 0 : i32
    %dma_wait3A_92 = tpu.memref_slice %arg6[%dma_wait3A_89, %dma_wait3A_90, %dma_wait3A_91] : memref<6x8x2048xf32, #tpu.memory_space<vmem>> -> memref<1x8x2048xf32, #tpu.memory_space<vmem>>
    %dma_wait3A_93 = tpu.memref_squeeze %dma_wait3A_92 : memref<1x8x2048xf32, #tpu.memory_space<vmem>> -> memref<8x2048xf32, #tpu.memory_space<vmem>>
    %dma_wait3A_94 = arith.constant 0 : i32
    %dma_wait3A_95 = tpu.memref_slice %arg4[%mul3A_2, %dma_wait3A_94] : memref<16384x2048xf32, #tpu.memory_space<hbm>> -> memref<8x2048xf32, #tpu.memory_space<hbm>>
    %dma_wait3A_96 = arith.constant 0 : i32
    %dma_wait3A_97 = tpu.memref_slice %arg4[%mul3A_2, %dma_wait3A_96] : memref<16384x2048xf32, #tpu.memory_space<hbm>> -> memref<8x2048xf32, #tpu.memory_space<hbm>>
    %dma_wait3A_98 = arith.constant 0 : i32
    %dma_wait3A_99 = arith.constant 0 : i32
    %dma_wait3A_100 = tpu.memref_slice %arg6[%dma_wait3A_89, %dma_wait3A_98, %dma_wait3A_99] : memref<6x8x2048xf32, #tpu.memory_space<vmem>> -> memref<1x8x2048xf32, #tpu.memory_space<vmem>>
    %dma_wait3A_101 = tpu.memref_squeeze %dma_wait3A_100 : memref<1x8x2048xf32, #tpu.memory_space<vmem>> -> memref<8x2048xf32, #tpu.memory_space<vmem>>
    tpu.wait_dma2 semaphore(%arg8 : memref<!tpu.dma_semaphore, #tpu.memory_space<semaphore_mem>>) src(%dma_wait3A_101 : memref<8x2048xf32, #tpu.memory_space<vmem>>) dst(%dma_wait3A_97 : memref<8x2048xf32, #tpu.memory_space<hbm>>)
    %dma_wait3A_102 = arith.constant 0 : i32
    %dma_wait3A_103 = arith.constant 0 : i32
    %dma_wait3A_104 = arith.constant 0 : i32
    %dma_wait3A_105 = tpu.memref_slice %arg6[%dma_wait3A_102, %dma_wait3A_103, %dma_wait3A_104] : memref<6x8x2048xf32, #tpu.memory_space<vmem>> -> memref<1x8x2048xf32, #tpu.memory_space<vmem>>
    %dma_wait3A_106 = tpu.memref_squeeze %dma_wait3A_105 : memref<1x8x2048xf32, #tpu.memory_space<vmem>> -> memref<8x2048xf32, #tpu.memory_space<vmem>>
    %dma_wait3A_107 = arith.constant 0 : i32
    %dma_wait3A_108 = tpu.memref_slice %arg4[%mul3A_2, %dma_wait3A_107] : memref<16384x2048xf32, #tpu.memory_space<hbm>> -> memref<8x2048xf32, #tpu.memory_space<hbm>>
    %dma_wait3A_109 = arith.constant 0 : i32
    %dma_wait3A_110 = tpu.memref_slice %arg4[%mul3A_2, %dma_wait3A_109] : memref<16384x2048xf32, #tpu.memory_space<hbm>> -> memref<8x2048xf32, #tpu.memory_space<hbm>>
    %dma_wait3A_111 = arith.constant 0 : i32
    %dma_wait3A_112 = arith.constant 0 : i32
    %dma_wait3A_113 = tpu.memref_slice %arg6[%dma_wait3A_102, %dma_wait3A_111, %dma_wait3A_112] : memref<6x8x2048xf32, #tpu.memory_space<vmem>> -> memref<1x8x2048xf32, #tpu.memory_space<vmem>>
    %dma_wait3A_114 = tpu.memref_squeeze %dma_wait3A_113 : memref<1x8x2048xf32, #tpu.memory_space<vmem>> -> memref<8x2048xf32, #tpu.memory_space<vmem>>
    tpu.wait_dma2 semaphore(%arg8 : memref<!tpu.dma_semaphore, #tpu.memory_space<semaphore_mem>>) src(%dma_wait3A_114 : memref<8x2048xf32, #tpu.memory_space<vmem>>) dst(%dma_wait3A_110 : memref<8x2048xf32, #tpu.memory_space<hbm>>)
    return
  }
}

</mosaic_0001>

<sc_bundles>
// kernel: kernel.3.cloned.1.call-start
scs
__scs_entry_jumppad:
0x0: {  	(pc) =	sbr.rel $0x88, $3  }
0x1: {  	(tag) =	ssettag $0x0;
	lr =	simm.s32 $0x1  }
0x2: {  	[smem:$0x3F9F] =	sst lr;
	_ =	strace $0xD0000000  }
0x3: {  	_ = 	snop  }
0x4: {  	_ = 	snop  }
0x5: {  	_ = 	snop  }
0x6: {  	_ = 	snop  }
0x7: {  	_ = 	snop  }
__scs_overlays_trampoline_lowered:
0x8: {  	[smem:$0x3FAE] =	sst s0  }
0x9: {  	[smem:$0x3FAF] =	sst s1  }
0xa: {  	[smem:$0x3FB0] =	sst s2  }
0xb: {  	[smem:$0x3FB1] =	sst s3  }
0xc: {  	[smem:$0x3FB2] =	sst s4  }
0xd: {  	[smem:$0x3FB3] =	sst s5  }
0xe: {  	[smem:$0x3FB4] =	sst s6  }
0xf: {  	[smem:$0x3FB5] =	sst s7  }
0x10: {  	[smem:$0x3FB6] =	sst s8  }
0x11: {  	[smem:$0x3FB7] =	sst s9;
	s0 =	simm.s32 @!p0 $0x0  }
0x12: {  	s1 =	sld [smem:$0x3F9D];
	s0 =	simm.s32 @p0 $0x1  }
0x13: {  	[smem:$0x3FB8] =	sst s0;
	s0 =	simm.s32 @!p1 $0x0  }
0x14: {  	s2 =	sld [smem:$0x3F9C];
	s0 =	simm.s32 @p1 $0x1  }
0x15: {  	[smem:$0x3FB9] =	sst s0;
	s0 =	simm.s32 @!p2 $0x0  }
0x16: {  	s3 =	sld [smem:$0x3FDB];
	s0 =	simm.s32 @p2 $0x1  }
0x17: {  	s4 =	simm.s32 $0x1BF5;
	[smem:$0x3FBB] =	sst s0  }
0x18: {  	s0 =	sld [smem:$0x3F9E];
	_ =	swait.ge [sflag:s4], $0x0  }
0x19: {  	s7 =	sld [smem:$0x3F9F]  }
0x1a: {  	s8 =	sadd.s32 $0xFFFFE003, lr  }
0x1b: {  	s9 =	sadd.s32 $0xFFFFFEF7, lr;
	s5 =	simm.s32 $0xFFFFFFFF;
	p2 =	slt.u32 s8, $0xFFFFF086  }
0x1c: {  	p1 =	slt.u32 s9, $0xF7A;
	s5 =	simm.s32 @!p2 $0x0  }
0x1d: {  	s5 =	simm.s32 @p1 $0x1;
	p0 =	seq.s32 s7, s2  }
0x1e: {  	s7 =	smul.u32 @!p0 $0xF7A, s2;
	p2 =	seq.s32 @!p0 s5, $0x0  }
0x1f: {  	s9 =	smul.u32 $0xF7A, s1;
	s8 =	simm.s32 @!p0 $0x1BF5;
	p2 =	por !p2, p0  }
0x20: {  	[sflag:s8] =	ssyncset.s32 @!p0 $0xFFFFF086;
	s6 =	sadd.s32 @!p0 s3, s7;
	s7 =	simm.s32 @!p0 $0x108  }
0x21: {  	s3 =	sadd.s32 s3, s9;
	s6 =	sadd.s32 @!p0 $0x88, s6;
	s7 =	simm.s32 @p2 $0x1082  }
0x22: {  	[simem:s7], [sflag:s8] =	dma.local @!p0 [hbm:s6], $0xF7A  }
0x23: {  	s9 =	sor.u32 $0xD0000000, s2;
	s6 =	simm.s32 $0x108;
	_ =	swait.ge @!p0 [sflag:s8], $0x0  }
0x24: {  	s3 =	sadd.s32 $0x88, s3;
	s6 =	simm.s32 @!p1 $0x1082;
	[sflag:s4] =	ssyncset.s32 $0xFFFFF086  }
0x25: {  	[simem:s6], [sflag:s4] =	dma.local [hbm:s3], $0xF7A  }
0x26: {  	[smem:$0x3F9F] =	sst s1;
	(tag) =	ssettag s2;
	_ =	strace s9  }
0x27: {  	s1 =	sld [smem:$0x3FAF]  }
0x28: {  	s2 =	sld [smem:$0x3FB0]  }
0x29: {  	s4 =	sld [smem:$0x3FB2]  }
0x2a: {  	p0 =	seq.s32 s5, $0x0;
	s5 =	sld [smem:$0x3FB3]  }
0x2b: {  	s6 =	sld [smem:$0x3FB4]  }
0x2c: {  	s7 =	sld [smem:$0x3FB5]  }
0x2d: {  	s3 =	simm.s32 $0x108;
	s8 =	sld [smem:$0x3FB6]  }
0x2e: {  	s3 =	simm.s32 @!p0 $0x1082;
	s9 =	sld [smem:$0x3FB7]  }
0x2f: {  	lr =	sadd.s32 s0, s3;
	s0 =	sld [smem:$0x3FAE]  }
0x30: {  	s3 =	sld [smem:$0x3FB1]  }
0x31: {  	[smem:$0x3FBA] =	sst s10  }
0x32: {  	s10 =	sld [smem:$0x3FB8];
	_ =	sdelay $0x3  }
0x33: {  	p0 =	seq.s32 s10, $0x1;
	s10 =	sld [smem:$0x3FBA];
	_ =	sdelay $0x3  }
0x34: {  	[smem:$0x3FBA] =	sst s10  }
0x35: {  	s10 =	sld [smem:$0x3FB9];
	_ =	sdelay $0x3  }
0x36: {  	p1 =	seq.s32 s10, $0x1;
	s10 =	sld [smem:$0x3FBA];
	_ =	sdelay $0x3  }
0x37: {  	[smem:$0x3FBA] =	sst s10  }
0x38: {  	s10 =	sld [smem:$0x3FBB]  }
0x39: {  	_ = 	snop;
	(pc) =	sbr.ind lr, $3  }
0x3a: {  	_ = 	snop  }
0x3b: {  	_ = 	snop  }
0x3c: {  	p2 =	seq.s32 s10, $0x1;
	s10 =	sld [smem:$0x3FBA]  }
0x3d: {  	_ =	shalt  }
0x3e: {  	_ =	shalt  }
0x3f: {  	_ =	shalt  }
0x40: {  	_ =	shalt  }
0x41: {  	_ =	shalt  }
0x42: {  	_ =	shalt  }
0x43: {  	_ =	shalt  }
0x44: {  	_ =	shalt  }
0x45: {  	_ =	shalt  }
0x46: {  	_ =	shalt  }
0x47: {  	_ =	shalt  }
0x48: {  	_ =	shalt  }
0x49: {  	_ =	shalt  }
0x4a: {  	_ =	shalt  }
0x4b: {  	_ =	shalt  }
0x4c: {  	_ =	shalt  }
0x4d: {  	_ =	shalt  }
0x4e: {  	_ =	shalt  }
0x4f: {  	_ =	shalt  }
0x50: {  	_ =	shalt  }
0x51: {  	_ =	shalt  }
0x52: {  	_ =	shalt  }
0x53: {  	_ =	shalt  }
0x54: {  	_ =	shalt  }
0x55: {  	_ =	shalt  }
0x56: {  	_ =	shalt  }
0x57: {  	_ =	shalt  }
0x58: {  	_ =	shalt  }
0x59: {  	_ =	shalt  }
0x5a: {  	_ =	shalt  }
0x5b: {  	_ =	shalt  }
0x5c: {  	_ =	shalt  }
0x5d: {  	_ =	shalt  }
0x5e: {  	_ =	shalt  }
0x5f: {  	_ =	shalt  }
0x60: {  	_ =	shalt  }
0x61: {  	_ =	shalt  }
0x62: {  	_ =	shalt  }
0x63: {  	_ =	shalt  }
0x64: {  	_ =	shalt  }
0x65: {  	_ =	shalt  }
0x66: {  	_ =	shalt  }
0x67: {  	_ =	shalt  }
0x68: {  	_ =	shalt  }
0x69: {  	_ =	shalt  }
0x6a: {  	_ =	shalt  }
0x6b: {  	_ =	shalt  }
0x6c: {  	_ =	shalt  }
0x6d: {  	_ =	shalt  }
0x6e: {  	_ =	shalt  }
0x6f: {  	_ =	shalt  }
0x70: {  	_ =	shalt  }
0x71: {  	_ =	shalt  }
0x72: {  	_ =	shalt  }
0x73: {  	_ =	shalt  }
0x74: {  	_ =	shalt  }
0x75: {  	_ =	shalt  }
0x76: {  	_ =	shalt  }
0x77: {  	_ =	shalt  }
0x78: {  	_ =	shalt  }
0x79: {  	_ =	shalt  }
0x7a: {  	_ =	shalt  }
0x7b: {  	_ =	shalt  }
0x7c: {  	_ =	shalt  }
0x7d: {  	_ =	shalt  }
0x7e: {  	_ =	shalt  }
0x7f: {  	_ =	shalt  }
0x80: {  	_ =	shalt  }
0x81: {  	_ =	shalt  }
0x82: {  	_ =	shalt  }
0x83: {  	_ =	shalt  }
0x84: {  	_ =	shalt  }
0x85: {  	_ =	shalt  }
0x86: {  	_ =	shalt  }
0x87: {  	_ =	shalt  }
.Lfunc_end0:
.L_simem_size_0:
called_computation_lowered:
.L_overlay_start_0:
0x88: {  	s2 =	sld [smem:$0x3FD9]  }
0x89: {  	s3 =	sld [smem:$0x3FFE];
	_ =	sdelay $0x1  }
0x8a: {  	s1 =	srdreg.scid  }
0x8b: {  	s0 =	sand.u32 $0x1, s1  }
0x8c: {  	s17 =	sshll.u32 s0, $0xA;
	s2 =	sadd.s32 s3, s2  }
0x8d: {  	s2 =	sadd.s32 s2, s17  }
0x8e: {  	[smem:$0x3FC6] =	sst s2  }
0x8f: {  	_ = 	snop  }
0x90: {  	s2 =	sld [smem:$0x3FC8]  }
0x91: {  	s18 =	sld [smem:$0x3FD0];
	(tm) =	ssettm $0x1  }
0x92: {  	s4 =	sld [smem:$0x3FFB];
	_ =	sdelay $0x3  }
0x93: {  	_ =	strace s4  }
0x94: {  	s4 =	sld [smem:$0x3FFC];
	_ =	sdelay $0x3  }
0x95: {  	_ =	strace s4  }
0x96: {  	s4 =	sld [smem:$0x3FFD];
	_ =	sdelay $0x3  }
0x97: {  	_ =	strace s4  }
0x98: {  	_ =	strace $0x8FFFFFFF  }
0x99: {  	s19 =	sld [smem:$0x3FDB];
	_ =	sdelay $0x1  }
0x9a: {  	s5 =	simm.s32 $_scs_section_size  }
0x9b: {  	s6 =	simm.s32 $_size__tile_overlayer_lowered;
	s7 =	simm.s32 $_tile_overlayer_lowered  }
0x9c: {  	s22 =	simm.s32 $0x1BFF;
	s21 =	sshll.u32 s7, $0x1;
	s4 =	sadd.s32 s5, s19  }
0x9d: {  	s8 =	simm.s32 $0x0;
	s20 =	sshll.u32 s6, $0x1;
	s6 =	sadd.s32 s21, s4  }
0x9e: {  	[timem:s8], [sflag:s22] =	dma.local [hbm:s6], s20  }
0x9f: {  	_ =	swait.ge [sflag:s22], s20  }
0xa0: {  	s5 =	ssub.s32 $0x0, s20;
	[sflag:s22] =	ssyncset.done $0x0  }
0xa1: {  	[sflag:s22] =	ssyncadd.s32 s5;
	_ =	sdelay $0x1  }
0xa2: {  	s23 =	simm.s32 $0x1B8B  }
0xa3: {  	_ =	swait.ge [sflag:s23], $0x1  }
0xa4: {  	[sflag:s23] =	ssyncset.done $0x0  }
0xa5: {  	s25 =	simm.s32 $0x1B8E;
	s24 =	sld [smem:$0x3FFE];
	[sflag:s23] =	ssyncadd.s32 $0xFFFFFFFF  }
0xa6: {  	s26 =	simm.s32 $execute0_lowered;
	[smem:$0x3FD2] =	sst s25  }
0xa7: {  	s6 =	sshll.u32 s26, $0x1;
	_ =	strace $0x80000046;
	[dreg:$0x1] =	wrdreg $0xFFFFFFFF  }
0xa8: {  	s28 =	simm.s32 $_size_execute0_lowered;
	s4 =	sadd.s32 s4, s6;
	[dreg:$0x0] =	wrdreg $0x0  }
0xa9: {  	s6 =	sshll.u32 s28, $0x1;
	[dreg:$0x2] =	wrdreg s4  }
0xaa: {  	[dreg:$0x3] =	wrdreg s6  }
0xab: {  	[dreg:$0x4] =	wrdreg $0xC0  }
0xac: {  	_ =	task [dreg:s8], $0x5FFFF  }
0xad: {  	[dreg:$0x1] =	wrdreg $0xFFFFFFFF  }
0xae: {  	[dreg:$0x0] =	wrdreg $0x60  }
0xaf: {  	[dreg:$0x2] =	wrdreg s2  }
0xb0: {  	[dreg:$0x3] =	wrdreg s24  }
0xb1: {  	[dreg:$0x4] =	wrdreg s18  }
0xb2: {  	[dreg:$0x5] =	wrdreg $0x9  }
0xb3: {  	_ =	task.clear_ibuf [dreg:s8], $0x6FFFF;
	_ =	strace $0x90000046  }
0xb4: {  	s29 =	simm.s32 $0x9;
	_ =	strace $0x80000048  }
0xb5: {  	_ =	swait.ge [sflag:s29], $0x1  }
0xb6: {  	[sflag:s29] =	ssyncadd.s32 $0xFFFFFFFF  }
0xb7: {  	_ =	strace $0x90000048  }
0xb8: {  	_ =	sfence  }
0xb9: {  	s30 =	sld [smem:$0x0];
	_ =	sdelay $0x2  }
0xba: {  	s31 =	sshll.u32 s1, $0xD;
	s1 =	sshrl.u32 s1, $0x2  }
0xbb: {  	s3 =	sand.u32 $0x4000, s31;
	s1 =	sadd.s32 s1, s30  }
0xbc: {  	s0 =	sor.u32 s3, s0;
	s1 =	sshll.u32 s1, $0x11  }
0xbd: {  	s0 =	sor.u32 s1, s0  }
0xbe: {  	s0 =	sadd.s32 $0x8F2B, s0  }
0xbf: {  	[sflag:s0] =	ssyncadd.remote.s32 $0x1  }
0xc0: {  	_ =	sfence.sel $0xFFFF  }
0xc1: {  	[dreg:$0x0] =	wrdreg $0xFFFFFFFF;
	(pc) =	sbr.abs _section_cstart, $3  }
0xc2: {  	[dreg:$0x1] =	wrdreg $0xFFFFFFFF  }
0xc3: {  	_ =	task.clear_ibuf [dreg:s8], $0x2FFFF;
	_ =	strace $0x9FFFFFFF  }
0xc4: {  	(tm) =	ssettm $0x7FFFFFFF  }
0xc5: {  	_ =	shalt  }
tec
execute0_lowered:
.L_overlay_start_1:
0x0: {  	(tag) =	ssettag $0x1  }
0x1: {  	s2 =	rddreg [dreg:$0x0]  }
0x2: {  	s0 =	rddreg [dreg:$0x1];
	s1 =	srdreg.scid  }
0x3: {  	s4 =	rddreg [dreg:$0x2];
	s14 =	stileid.u32;
	s3 =	simm.s32 $0x0  }
0x4: {  	s18 =	simm.s32 $0x200;
	s26 =	simm.s32 $0x4200;
	s25 =	simm.s32 $0x1  }
0x5: {  	s28 =	simm.s32 $0xC200;
	s31 =	simm.s32 $0xDA00;
	s17 =	simm.s32 $0xFA00  }
0x6: {  	s19 =	simm.s32 $0x10200;
	s20 =	simm.s32 $0x14200;
	s21 =	simm.s32 $0x2  }
0x7: {  	s23 =	simm.s32 $0x0;
	s1 =	sand.u32 $0x1, s1;
	s5 =	sshll.u32 s14, $0xA  }
0x8: {  	[smem:$0x7FF] =	sst s3;
	s8 =	sadd.s32 $0x400, s2;
	s9 =	sadd.s32 $0x500, s2  }
0x9: {  	s10 =	sadd.s32 $0x600, s2;
	s11 =	sadd.s32 $0x700, s2;
	s30 =	sshll.u32 s14, $0x12  }
0xa: {  	s6 =	sshll.u32 s1, $0x9;
	s29 =	ssub.s32 $0x2, s1;
	_ =	strace $0x80000047  }
0xb: {  	s1 =	sshll.u32 s1, $0x11;
	s12 =	sor.u32 s6, s5;
	s7 =	sshrl.u32 s29, $0x1  }
0xc: {  	s5 =	sadd.s32 $0x100, s2;
	s6 =	sshrl.u32 s12, $0x3;
	s13 =	ssub.s32 s29, s7  }
0xd: {  	s7 =	sadd.s32 $0x300, s2;
	s12 =	sshll.u32 s12, $0x8;
	s0 =	sadd.s32 s6, s0  }
.Ltmp0:
0xe: {  	s6 =	sadd.s32 $0x200, s2;
	s13 =	smax.u32 s13, $0x1;
	(pc) =	sbr.rel .LBB2_1-.Ltmp0, $4  }
0xf: {  	s0 =	sadd.s32 $0x400, s0;
	[dreg:$0x5] =	wrdreg s13;
	s13 =	sadd.s32 s12, s4  }
0x10: {  	v0 =	vlaneseq.u32;
	s12 =	simm.s32 $0x8200;
	[dreg:$0x4] =	wrdreg s0;
	s0 =	sadd.s32 s30, s4  }
0x11: {  	v1 =	vshrl.u32 v0, $0x3;
	s15 =	sadd.s32 $0x1000, s13;
	s16 =	sadd.s32 $0x2000, s13;
	s4 =	simm.s32 $0xF200  }
0x12: {  	vm0 =	vmmov $0xffff;
	v0 =	vand.u32 $0x7, v0;
	v1 =	vmul.u32 $0x8, v1;
	s14 =	sadd.s32 s1, s0;
	s0 =	simm.s32 $0xE200;
	s1 =	simm.s32 $0xEA00  }
.LBB2_12:
0x13: {  	[hbm4b:s29+s3] =	stream.linear.scatter [tilespmem:s28], [sflag:$0x2], $0x4000, $0x38;
	[tilespmem:$0x18200] =	vst v63  }
0x14: {  	_ =	swait.ge [sflag:s21], $0x4000  }
0x15: {  	[sflag:s21] =	ssyncset.done $0x0  }
0x16: {  	[sflag:s21] =	ssyncadd.s32 $0xFFFFC000  }
0x17: {  	_ =	swait.ge [sflag:s21], $0x4000  }
0x18: {  	[sflag:s21] =	ssyncset.done $0x0  }
0x19: {  	[sflag:s21] =	ssyncadd.s32 $0xFFFFC000  }
0x1a: {  	_ =	swait.ge [sflag:s21], $0x4000  }
0x1b: {  	[sflag:s21] =	ssyncset.done $0x0  }
0x1c: {  	[sflag:s21] =	ssyncadd.s32 $0xFFFFC000  }
0x1d: {  	_ =	swait.ge [sflag:s21], $0x4000  }
0x1e: {  	[sflag:s21] =	ssyncset.done $0x0  }
0x1f: {  	[sflag:s21] =	ssyncadd.s32 $0xFFFFC000  }
0x20: {  	_ =	swait.ge [sflag:s21], $0x4000  }
0x21: {  	[sflag:s21] =	ssyncset.done $0x0  }
0x22: {  	[sflag:s21] =	ssyncadd.s32 $0xFFFFC000  }
0x23: {  	_ =	swait.ge [sflag:s21], $0x4000  }
0x24: {  	s23 =	rddreg [dreg:$0x6]  }
0x25: {  	s22 =	rddreg [dreg:$0x5];
	s23 =	sadd.s32 $0x1, s23  }
0x26: {  	p0 =	sne.s32 s23, s22  }
.Ltmp1:
0x27: {  	_ = 	snop;
	(pc) =	sbr.rel @!p0 .LBB2_13-.Ltmp1, $3  }
0x28: {  	_ =	sdelay $0x1  }
0x29: {  	[sflag:s21] =	ssyncset.done $0x0  }
0x2a: {  	[sflag:s21] =	ssyncadd.s32 $0xFFFFC000  }
.LBB2_1:
0x2b: {  	[dreg:$0x6] =	wrdreg s23  }
0x2c: {  	s22 =	rddreg [dreg:$0x4];
	s29 =	simm.s32 $0x3  }
0x2d: {  	[tilespmem:s3], [sflag:$0x3] =	stream.linear.gather [hbm4b:s22+s3], $0x200, $0x38;
	[tilespmem:$0x18200] =	vst v63  }
0x2e: {  	_ =	swait.ge [sflag:s29], $0x200  }
0x2f: {  	[sflag:s29] =	ssyncset.done $0x0  }
0x30: {  	[sflag:s29] =	ssyncadd.s32 $0xFFFFFE00  }
0x31: {  	v2 =	vld.msk [tilespmem:$0x0], $0xff;
	_ =	sdelay $0x4  }
0x32: {  	v3 =	vshll.u32 v2, $0x4  }
0x33: {  	v2 =	vand.u32 $0x7, v2;
	v3 =	vand.u32 $0xFFFFFF80, v3  }
0x34: {  	v2 =	vor.u32 v2, v3  }
0x35: {  	v2 =	vperm.xlane v2, v0;
	_ =	sdelay $0x1  }
0x36: {  	v2 =	vadd.s32 v1, v2;
	_ =	sdelay $0x4  }
0x37: {  	[tilespmem:s18], [sflag:$0x1] =	stream.indirect_vreg.gather [hbm4b:s2+s3], $0x80, v2, vm0, $0xb8;
	[tilespmem:$0x18200] =	vst v63  }
0x38: {  	s30 =	simm.s32 $0xA00  }
0x39: {  	[tilespmem:s30], [sflag:$0x1] =	stream.indirect_vreg.gather [hbm4b:s5+s3], $0x80, v2, vm0, $0xb8;
	[tilespmem:$0x18200] =	vst v63  }
0x3a: {  	s23 =	simm.s32 $0x1200  }
0x3b: {  	[tilespmem:s23], [sflag:$0x1] =	stream.indirect_vreg.gather [hbm4b:s6+s3], $0x80, v2, vm0, $0xb8;
	[tilespmem:$0x18200] =	vst v63  }
0x3c: {  	s24 =	simm.s32 $0x1A00  }
0x3d: {  	[tilespmem:s24], [sflag:$0x1] =	stream.indirect_vreg.gather [hbm4b:s7+s3], $0x80, v2, vm0, $0xb8;
	[tilespmem:$0x18200] =	vst v63  }
0x3e: {  	s29 =	simm.s32 $0x2200  }
0x3f: {  	[tilespmem:s29], [sflag:$0x1] =	stream.indirect_vreg.gather [hbm4b:s8+s3], $0x80, v2, vm0, $0xb8;
	[tilespmem:$0x18200] =	vst v63  }
0x40: {  	s30 =	simm.s32 $0x2A00  }
0x41: {  	[tilespmem:s30], [sflag:$0x1] =	stream.indirect_vreg.gather [hbm4b:s9+s3], $0x80, v2, vm0, $0xb8;
	[tilespmem:$0x18200] =	vst v63  }
0x42: {  	s23 =	simm.s32 $0x3200  }
0x43: {  	[tilespmem:s23], [sflag:$0x1] =	stream.indirect_vreg.gather [hbm4b:s10+s3], $0x80, v2, vm0, $0xb8;
	[tilespmem:$0x18200] =	vst v63  }
0x44: {  	s24 =	simm.s32 $0x3A00  }
0x45: {  	[tilespmem:s24], [sflag:$0x1] =	stream.indirect_vreg.gather [hbm4b:s11+s3], $0x80, v2, vm0, $0xb8;
	[tilespmem:$0x18200] =	vst v63  }
0x46: {  	v2 =	vld.msk [tilespmem:$0x8], $0xff;
	_ =	sdelay $0x4  }
0x47: {  	v3 =	vshll.u32 v2, $0x4  }
0x48: {  	v2 =	vand.u32 $0x7, v2;
	v3 =	vand.u32 $0xFFFFFF80, v3  }
0x49: {  	v2 =	vor.u32 v2, v3  }
0x4a: {  	v2 =	vperm.xlane v2, v0;
	_ =	sdelay $0x1  }
0x4b: {  	v2 =	vadd.s32 v1, v2;
	_ =	sdelay $0x4  }
0x4c: {  	[tilespmem:s26], [sflag:$0x1] =	stream.indirect_vreg.gather [hbm4b:s2+s3], $0x80, v2, vm0, $0xb8;
	[tilespmem:$0x18200] =	vst v63  }
0x4d: {  	s29 =	simm.s32 $0x4A00  }
0x4e: {  	[tilespmem:s29], [sflag:$0x1] =	stream.indirect_vreg.gather [hbm4b:s5+s3], $0x80, v2, vm0, $0xb8;
	[tilespmem:$0x18200] =	vst v63  }
0x4f: {  	s30 =	simm.s32 $0x5200  }
0x50: {  	[tilespmem:s30], [sflag:$0x1] =	stream.indirect_vreg.gather [hbm4b:s6+s3], $0x80, v2, vm0, $0xb8;
	[tilespmem:$0x18200] =	vst v63  }
0x51: {  	s23 =	simm.s32 $0x5A00  }
0x52: {  	[tilespmem:s23], [sflag:$0x1] =	stream.indirect_vreg.gather [hbm4b:s7+s3], $0x80, v2, vm0, $0xb8;
	[tilespmem:$0x18200] =	vst v63  }
0x53: {  	s24 =	simm.s32 $0x6200  }
0x54: {  	[tilespmem:s24], [sflag:$0x1] =	stream.indirect_vreg.gather [hbm4b:s8+s3], $0x80, v2, vm0, $0xb8;
	[tilespmem:$0x18200] =	vst v63  }
0x55: {  	s29 =	simm.s32 $0x6A00  }
0x56: {  	[tilespmem:s29], [sflag:$0x1] =	stream.indirect_vreg.gather [hbm4b:s9+s3], $0x80, v2, vm0, $0xb8;
	[tilespmem:$0x18200] =	vst v63  }
0x57: {  	s30 =	simm.s32 $0x7200  }
0x58: {  	[tilespmem:s30], [sflag:$0x1] =	stream.indirect_vreg.gather [hbm4b:s10+s3], $0x80, v2, vm0, $0xb8;
	[tilespmem:$0x18200] =	vst v63  }
0x59: {  	s23 =	simm.s32 $0x7A00  }
0x5a: {  	[tilespmem:s23], [sflag:$0x1] =	stream.indirect_vreg.gather [hbm4b:s11+s3], $0x80, v2, vm0, $0xb8;
	[tilespmem:$0x18200] =	vst v63  }
0x5b: {  	v2 =	vld.msk [tilespmem:$0x10], $0xff;
	_ =	sdelay $0x4  }
0x5c: {  	v3 =	vshll.u32 v2, $0x4  }
0x5d: {  	v2 =	vand.u32 $0x7, v2;
	v3 =	vand.u32 $0xFFFFFF80, v3  }
0x5e: {  	v2 =	vor.u32 v2, v3  }
0x5f: {  	v2 =	vperm.xlane v2, v0;
	_ =	sdelay $0x1  }
0x60: {  	v2 =	vadd.s32 v1, v2;
	_ =	sdelay $0x4  }
0x61: {  	[tilespmem:s12], [sflag:$0x1] =	stream.indirect_vreg.gather [hbm4b:s2+s3], $0x80, v2, vm0, $0xb8;
	[tilespmem:$0x18200] =	vst v63  }
0x62: {  	s24 =	simm.s32 $0x8A00  }
0x63: {  	[tilespmem:s24], [sflag:$0x1] =	stream.indirect_vreg.gather [hbm4b:s5+s3], $0x80, v2, vm0, $0xb8;
	[tilespmem:$0x18200] =	vst v63  }
0x64: {  	s29 =	simm.s32 $0x9200  }
0x65: {  	[tilespmem:s29], [sflag:$0x1] =	stream.indirect_vreg.gather [hbm4b:s6+s3], $0x80, v2, vm0, $0xb8;
	[tilespmem:$0x18200] =	vst v63  }
0x66: {  	s30 =	simm.s32 $0x9A00  }
0x67: {  	[tilespmem:s30], [sflag:$0x1] =	stream.indirect_vreg.gather [hbm4b:s7+s3], $0x80, v2, vm0, $0xb8;
	[tilespmem:$0x18200] =	vst v63  }
0x68: {  	s23 =	simm.s32 $0xA200  }
0x69: {  	[tilespmem:s23], [sflag:$0x1] =	stream.indirect_vreg.gather [hbm4b:s8+s3], $0x80, v2, vm0, $0xb8;
	[tilespmem:$0x18200] =	vst v63  }
0x6a: {  	s24 =	simm.s32 $0xAA00  }
0x6b: {  	[tilespmem:s24], [sflag:$0x1] =	stream.indirect_vreg.gather [hbm4b:s9+s3], $0x80, v2, vm0, $0xb8;
	[tilespmem:$0x18200] =	vst v63  }
0x6c: {  	s29 =	simm.s32 $0xB200  }
0x6d: {  	[tilespmem:s29], [sflag:$0x1] =	stream.indirect_vreg.gather [hbm4b:s10+s3], $0x80, v2, vm0, $0xb8;
	[tilespmem:$0x18200] =	vst v63  }
0x6e: {  	s22 =	simm.s32 $0x20;
	s30 =	simm.s32 $0xBA00;
	s23 =	simm.s32 $0x0  }
0x6f: {  	[tilespmem:s30], [sflag:$0x1] =	stream.indirect_vreg.gather [hbm4b:s11+s3], $0x80, v2, vm0, $0xb8;
	[tilespmem:$0x18200] =	vst v63  }
.LBB2_2:
0x70: {  	_ =	swait.ge [sflag:s25], $0x4000  }
0x71: {  	p0 =	seq.s32 s23, $0x0;
	[sflag:s25] =	ssyncset.done $0x0  }
0x72: {  	s24 =	simm.s32 @!p0 $0x2;
	[sflag:s25] =	ssyncadd.s32 $0xFFFFC000  }
0x73: {  	_ =	swait.ge @!p0 [sflag:s24], $0x4000  }
0x74: {  	[sflag:s24] =	ssyncset.done @!p0 $0x0  }
0x75: {  	[sflag:s24] =	ssyncadd.s32 @!p0 $0xFFFFC000  }
0x76: {  	v2 =	vld.msk [tilespmem:s22+$0xFFFFFFF8], $0xff;
	_ =	sdelay $0x4  }
0x77: {  	v3 =	vshll.u32 v2, $0x4  }
0x78: {  	v2 =	vand.u32 $0x7, v2;
	v3 =	vand.u32 $0xFFFFFF80, v3  }
0x79: {  	v2 =	vor.u32 v2, v3  }
0x7a: {  	v2 =	vperm.xlane v2, v0;
	_ =	sdelay $0x1  }
0x7b: {  	v2 =	vadd.s32 v1, v2;
	_ =	sdelay $0x4  }
0x7c: {  	[tilespmem:s28], [sflag:$0x1] =	stream.indirect_vreg.gather [hbm4b:s2+s3], $0x80, v2, vm0, $0xb8;
	[tilespmem:$0x18200] =	vst v63  }
0x7d: {  	s30 =	simm.s32 $0xCA00  }
0x7e: {  	[tilespmem:s30], [sflag:$0x1] =	stream.indirect_vreg.gather [hbm4b:s5+s3], $0x80, v2, vm0, $0xb8;
	[tilespmem:$0x18200] =	vst v63  }
0x7f: {  	s29 =	simm.s32 $0xD200  }
0x80: {  	[tilespmem:s29], [sflag:$0x1] =	stream.indirect_vreg.gather [hbm4b:s6+s3], $0x80, v2, vm0, $0xb8;
	[tilespmem:$0x18200] =	vst v63  }
0x81: {  	_ = 	snop  }
0x82: {  	[tilespmem:s31], [sflag:$0x1] =	stream.indirect_vreg.gather [hbm4b:s7+s3], $0x80, v2, vm0, $0xb8;
	[tilespmem:$0x18200] =	vst v63  }
0x83: {  	_ = 	snop  }
0x84: {  	[tilespmem:s0], [sflag:$0x1] =	stream.indirect_vreg.gather [hbm4b:s8+s3], $0x80, v2, vm0, $0xb8;
	[tilespmem:$0x18200] =	vst v63  }
0x85: {  	_ = 	snop  }
0x86: {  	[tilespmem:s1], [sflag:$0x1] =	stream.indirect_vreg.gather [hbm4b:s9+s3], $0x80, v2, vm0, $0xb8;
	[tilespmem:$0x18200] =	vst v63  }
0x87: {  	_ = 	snop  }
0x88: {  	[tilespmem:s4], [sflag:$0x1] =	stream.indirect_vreg.gather [hbm4b:s10+s3], $0x80, v2, vm0, $0xb8;
	[tilespmem:$0x18200] =	vst v63  }
0x89: {  	_ = 	snop  }
0x8a: {  	[tilespmem:s17], [sflag:$0x1] =	stream.indirect_vreg.gather [hbm4b:s11+s3], $0x80, v2, vm0, $0xb8;
	[tilespmem:$0x18200] =	vst v63  }
.Ltmp2:
0x8b: {  	s30 =	sadd.s32 s23, s14;
	(pc) =	sbr.rel @p0 .LBB2_5-.Ltmp2, $4  }
0x8c: {  	[hbm4b:s30+s3] =	stream.linear.scatter [tilespmem:s18], [sflag:$0x2], $0x4000, $0x38;
	[tilespmem:$0x18200] =	vst v63  }
0x8d: {  	_ =	swait.ge [sflag:s25], $0x4000  }
0x8e: {  	[sflag:s25] =	ssyncset.done $0x0  }
0x8f: {  	[sflag:s25] =	ssyncadd.s32 $0xFFFFC000  }
0x90: {  	p1 =	seq.s32 s23, $0x1E000  }
.Ltmp3:
0x91: {  	_ = 	snop;
	(pc) =	sbr.rel @p1 .LBB2_6-.Ltmp3, $1  }
0x92: {  	_ =	sdelay $0x3  }
0x93: {  	_ =	swait.ge [sflag:s21], $0x4000  }
0x94: {  	[sflag:s21] =	ssyncset.done $0x0  }
0x95: {  	[sflag:s21] =	ssyncadd.s32 $0xFFFFC000  }
.LBB2_5:
0x96: {  	v2 =	vld.msk [tilespmem:s22+$0x0], $0xff;
	_ =	sdelay $0x4  }
0x97: {  	v3 =	vshll.u32 v2, $0x4  }
0x98: {  	v2 =	vand.u32 $0x7, v2;
	v3 =	vand.u32 $0xFFFFFF80, v3  }
0x99: {  	v2 =	vor.u32 v2, v3  }
0x9a: {  	v2 =	vperm.xlane v2, v0;
	_ =	sdelay $0x1  }
0x9b: {  	v2 =	vadd.s32 v1, v2;
	_ =	sdelay $0x4  }
0x9c: {  	[tilespmem:s19], [sflag:$0x1] =	stream.indirect_vreg.gather [hbm4b:s2+s3], $0x80, v2, vm0, $0xb8;
	[tilespmem:$0x18200] =	vst v63  }
0x9d: {  	s24 =	simm.s32 $0x10A00  }
0x9e: {  	[tilespmem:s24], [sflag:$0x1] =	stream.indirect_vreg.gather [hbm4b:s5+s3], $0x80, v2, vm0, $0xb8;
	[tilespmem:$0x18200] =	vst v63  }
0x9f: {  	s29 =	simm.s32 $0x11200  }
0xa0: {  	[tilespmem:s29], [sflag:$0x1] =	stream.indirect_vreg.gather [hbm4b:s6+s3], $0x80, v2, vm0, $0xb8;
	[tilespmem:$0x18200] =	vst v63  }
0xa1: {  	s30 =	simm.s32 $0x11A00  }
0xa2: {  	[tilespmem:s30], [sflag:$0x1] =	stream.indirect_vreg.gather [hbm4b:s7+s3], $0x80, v2, vm0, $0xb8;
	[tilespmem:$0x18200] =	vst v63  }
0xa3: {  	s29 =	simm.s32 $0x12200  }
0xa4: {  	[tilespmem:s29], [sflag:$0x1] =	stream.indirect_vreg.gather [hbm4b:s8+s3], $0x80, v2, vm0, $0xb8;
	[tilespmem:$0x18200] =	vst v63  }
0xa5: {  	s30 =	simm.s32 $0x12A00  }
0xa6: {  	[tilespmem:s30], [sflag:$0x1] =	stream.indirect_vreg.gather [hbm4b:s9+s3], $0x80, v2, vm0, $0xb8;
	[tilespmem:$0x18200] =	vst v63  }
0xa7: {  	s29 =	simm.s32 $0x13200  }
0xa8: {  	[tilespmem:s29], [sflag:$0x1] =	stream.indirect_vreg.gather [hbm4b:s10+s3], $0x80, v2, vm0, $0xb8;
	[tilespmem:$0x18200] =	vst v63  }
0xa9: {  	s30 =	simm.s32 $0x13A00  }
0xaa: {  	[tilespmem:s30], [sflag:$0x1] =	stream.indirect_vreg.gather [hbm4b:s11+s3], $0x80, v2, vm0, $0xb8;
	[tilespmem:$0x18200] =	vst v63  }
.LBB2_6:
0xab: {  	s24 =	sadd.s32 s23, s13  }
.Ltmp4:
0xac: {  	s29 =	sadd.s32 $0x800, s24;
	(pc) =	sbr.rel @p0 .LBB2_9-.Ltmp4, $4  }
0xad: {  	[hbm4b:s29+s3] =	stream.linear.scatter [tilespmem:s26], [sflag:$0x2], $0x4000, $0x38;
	[tilespmem:$0x18200] =	vst v63  }
0xae: {  	_ =	swait.ge [sflag:s25], $0x4000  }
0xaf: {  	[sflag:s25] =	ssyncset.done $0x0  }
0xb0: {  	[sflag:s25] =	ssyncadd.s32 $0xFFFFC000  }
0xb1: {  	p0 =	seq.s32 s23, $0x1E000  }
.Ltmp5:
0xb2: {  	_ = 	snop;
	(pc) =	sbr.rel @p0 .LBB2_10-.Ltmp5, $1  }
0xb3: {  	_ =	sdelay $0x3  }
0xb4: {  	_ =	swait.ge [sflag:s21], $0x4000  }
0xb5: {  	[sflag:s21] =	ssyncset.done $0x0  }
0xb6: {  	[sflag:s21] =	ssyncadd.s32 $0xFFFFC000  }
.LBB2_9:
0xb7: {  	v2 =	vld.msk [tilespmem:s22+$0x8], $0xff;
	_ =	sdelay $0x4  }
0xb8: {  	v3 =	vshll.u32 v2, $0x4  }
0xb9: {  	v2 =	vand.u32 $0x7, v2;
	v3 =	vand.u32 $0xFFFFFF80, v3  }
0xba: {  	v2 =	vor.u32 v2, v3  }
0xbb: {  	v2 =	vperm.xlane v2, v0;
	_ =	sdelay $0x1  }
0xbc: {  	v2 =	vadd.s32 v1, v2;
	_ =	sdelay $0x4  }
0xbd: {  	[tilespmem:s20], [sflag:$0x1] =	stream.indirect_vreg.gather [hbm4b:s2+s3], $0x80, v2, vm0, $0xb8;
	[tilespmem:$0x18200] =	vst v63  }
0xbe: {  	s29 =	simm.s32 $0x14A00  }
0xbf: {  	[tilespmem:s29], [sflag:$0x1] =	stream.indirect_vreg.gather [hbm4b:s5+s3], $0x80, v2, vm0, $0xb8;
	[tilespmem:$0x18200] =	vst v63  }
0xc0: {  	s30 =	simm.s32 $0x15200  }
0xc1: {  	[tilespmem:s30], [sflag:$0x1] =	stream.indirect_vreg.gather [hbm4b:s6+s3], $0x80, v2, vm0, $0xb8;
	[tilespmem:$0x18200] =	vst v63  }
0xc2: {  	s30 =	simm.s32 $0x15A00  }
0xc3: {  	[tilespmem:s30], [sflag:$0x1] =	stream.indirect_vreg.gather [hbm4b:s7+s3], $0x80, v2, vm0, $0xb8;
	[tilespmem:$0x18200] =	vst v63  }
0xc4: {  	s30 =	simm.s32 $0x16200  }
0xc5: {  	[tilespmem:s30], [sflag:$0x1] =	stream.indirect_vreg.gather [hbm4b:s8+s3], $0x80, v2, vm0, $0xb8;
	[tilespmem:$0x18200] =	vst v63  }
0xc6: {  	s30 =	simm.s32 $0x16A00  }
0xc7: {  	[tilespmem:s30], [sflag:$0x1] =	stream.indirect_vreg.gather [hbm4b:s9+s3], $0x80, v2, vm0, $0xb8;
	[tilespmem:$0x18200] =	vst v63  }
0xc8: {  	s30 =	simm.s32 $0x17200  }
0xc9: {  	[tilespmem:s30], [sflag:$0x1] =	stream.indirect_vreg.gather [hbm4b:s10+s3], $0x80, v2, vm0, $0xb8;
	[tilespmem:$0x18200] =	vst v63  }
0xca: {  	s30 =	simm.s32 $0x17A00  }
0xcb: {  	[tilespmem:s30], [sflag:$0x1] =	stream.indirect_vreg.gather [hbm4b:s11+s3], $0x80, v2, vm0, $0xb8;
	[tilespmem:$0x18200] =	vst v63  }
.LBB2_10:
0xcc: {  	p0 =	seq.s32 s23, $0x1E000  }
.Ltmp6:
0xcd: {  	s29 =	sadd.s32 s23, s15;
	(pc) =	sbr.rel @p0 .LBB2_12-.Ltmp6, $4  }
0xce: {  	[hbm4b:s29+s3] =	stream.linear.scatter [tilespmem:s12], [sflag:$0x2], $0x4000, $0x38;
	[tilespmem:$0x18200] =	vst v63  }
0xcf: {  	_ =	swait.ge [sflag:s25], $0x4000  }
0xd0: {  	[sflag:s25] =	ssyncset.done $0x0  }
0xd1: {  	s29 =	sadd.s32 $0x1800, s24;
	[sflag:s25] =	ssyncadd.s32 $0xFFFFC000  }
0xd2: {  	_ =	swait.ge [sflag:s21], $0x4000  }
0xd3: {  	[sflag:s21] =	ssyncset.done $0x0  }
0xd4: {  	[sflag:s21] =	ssyncadd.s32 $0xFFFFC000  }
0xd5: {  	v2 =	vld.msk [tilespmem:s22+$0x10], $0xff;
	_ =	sdelay $0x4  }
0xd6: {  	v3 =	vshll.u32 v2, $0x4  }
0xd7: {  	v2 =	vand.u32 $0x7, v2;
	v3 =	vand.u32 $0xFFFFFF80, v3  }
0xd8: {  	v2 =	vor.u32 v2, v3  }
0xd9: {  	v2 =	vperm.xlane v2, v0;
	_ =	sdelay $0x1  }
0xda: {  	v2 =	vadd.s32 v1, v2;
	_ =	sdelay $0x4  }
0xdb: {  	[tilespmem:s18], [sflag:$0x1] =	stream.indirect_vreg.gather [hbm4b:s2+s3], $0x80, v2, vm0, $0xb8;
	[tilespmem:$0x18200] =	vst v63  }
0xdc: {  	s30 =	simm.s32 $0xA00  }
0xdd: {  	[tilespmem:s30], [sflag:$0x1] =	stream.indirect_vreg.gather [hbm4b:s5+s3], $0x80, v2, vm0, $0xb8;
	[tilespmem:$0x18200] =	vst v63  }
0xde: {  	s30 =	simm.s32 $0x1200  }
0xdf: {  	[tilespmem:s30], [sflag:$0x1] =	stream.indirect_vreg.gather [hbm4b:s6+s3], $0x80, v2, vm0, $0xb8;
	[tilespmem:$0x18200] =	vst v63  }
0xe0: {  	s30 =	simm.s32 $0x1A00  }
0xe1: {  	[tilespmem:s30], [sflag:$0x1] =	stream.indirect_vreg.gather [hbm4b:s7+s3], $0x80, v2, vm0, $0xb8;
	[tilespmem:$0x18200] =	vst v63  }
0xe2: {  	s30 =	simm.s32 $0x2200  }
0xe3: {  	[tilespmem:s30], [sflag:$0x1] =	stream.indirect_vreg.gather [hbm4b:s8+s3], $0x80, v2, vm0, $0xb8;
	[tilespmem:$0x18200] =	vst v63  }
0xe4: {  	s30 =	simm.s32 $0x2A00  }
0xe5: {  	[tilespmem:s30], [sflag:$0x1] =	stream.indirect_vreg.gather [hbm4b:s9+s3], $0x80, v2, vm0, $0xb8;
	[tilespmem:$0x18200] =	vst v63  }
0xe6: {  	s30 =	simm.s32 $0x3200  }
0xe7: {  	[tilespmem:s30], [sflag:$0x1] =	stream.indirect_vreg.gather [hbm4b:s10+s3], $0x80, v2, vm0, $0xb8;
	[tilespmem:$0x18200] =	vst v63  }
0xe8: {  	s30 =	simm.s32 $0x3A00  }
0xe9: {  	[tilespmem:s30], [sflag:$0x1] =	stream.indirect_vreg.gather [hbm4b:s11+s3], $0x80, v2, vm0, $0xb8;
	[tilespmem:$0x18200] =	vst v63  }
0xea: {  	_ = 	snop  }
0xeb: {  	[hbm4b:s29+s3] =	stream.linear.scatter [tilespmem:s28], [sflag:$0x2], $0x4000, $0x38;
	[tilespmem:$0x18200] =	vst v63  }
0xec: {  	_ =	swait.ge [sflag:s25], $0x4000  }
0xed: {  	[sflag:s25] =	ssyncset.done $0x0  }
0xee: {  	[sflag:s25] =	ssyncadd.s32 $0xFFFFC000  }
0xef: {  	_ =	swait.ge [sflag:s21], $0x4000  }
0xf0: {  	[sflag:s21] =	ssyncset.done $0x0  }
0xf1: {  	[sflag:s21] =	ssyncadd.s32 $0xFFFFC000  }
0xf2: {  	v2 =	vld.msk [tilespmem:s22+$0x18], $0xff;
	_ =	sdelay $0x4  }
0xf3: {  	v3 =	vshll.u32 v2, $0x4  }
0xf4: {  	v2 =	vand.u32 $0x7, v2;
	v3 =	vand.u32 $0xFFFFFF80, v3  }
0xf5: {  	v2 =	vor.u32 v2, v3  }
0xf6: {  	v2 =	vperm.xlane v2, v0;
	_ =	sdelay $0x1  }
0xf7: {  	v2 =	vadd.s32 v1, v2;
	_ =	sdelay $0x4  }
0xf8: {  	[tilespmem:s26], [sflag:$0x1] =	stream.indirect_vreg.gather [hbm4b:s2+s3], $0x80, v2, vm0, $0xb8;
	[tilespmem:$0x18200] =	vst v63  }
0xf9: {  	s30 =	simm.s32 $0x4A00  }
0xfa: {  	[tilespmem:s30], [sflag:$0x1] =	stream.indirect_vreg.gather [hbm4b:s5+s3], $0x80, v2, vm0, $0xb8;
	[tilespmem:$0x18200] =	vst v63  }
0xfb: {  	s30 =	simm.s32 $0x5200  }
0xfc: {  	[tilespmem:s30], [sflag:$0x1] =	stream.indirect_vreg.gather [hbm4b:s6+s3], $0x80, v2, vm0, $0xb8;
	[tilespmem:$0x18200] =	vst v63  }
0xfd: {  	s30 =	simm.s32 $0x5A00  }
0xfe: {  	[tilespmem:s30], [sflag:$0x1] =	stream.indirect_vreg.gather [hbm4b:s7+s3], $0x80, v2, vm0, $0xb8;
	[tilespmem:$0x18200] =	vst v63  }
0xff: {  	s30 =	simm.s32 $0x6200  }
0x100: {  	[tilespmem:s30], [sflag:$0x1] =	stream.indirect_vreg.gather [hbm4b:s8+s3], $0x80, v2, vm0, $0xb8;
	[tilespmem:$0x18200] =	vst v63  }
0x101: {  	s30 =	simm.s32 $0x6A00  }
0x102: {  	[tilespmem:s30], [sflag:$0x1] =	stream.indirect_vreg.gather [hbm4b:s9+s3], $0x80, v2, vm0, $0xb8;
	[tilespmem:$0x18200] =	vst v63  }
0x103: {  	s30 =	simm.s32 $0x7200  }
0x104: {  	[tilespmem:s30], [sflag:$0x1] =	stream.indirect_vreg.gather [hbm4b:s10+s3], $0x80, v2, vm0, $0xb8;
	[tilespmem:$0x18200] =	vst v63  }
0x105: {  	s30 =	simm.s32 $0x7A00  }
0x106: {  	[tilespmem:s30], [sflag:$0x1] =	stream.indirect_vreg.gather [hbm4b:s11+s3], $0x80, v2, vm0, $0xb8;
	[tilespmem:$0x18200] =	vst v63  }
0x107: {  	s30 =	sadd.s32 s23, s16  }
0x108: {  	[hbm4b:s30+s3] =	stream.linear.scatter [tilespmem:s19], [sflag:$0x2], $0x4000, $0x38;
	[tilespmem:$0x18200] =	vst v63  }
0x109: {  	_ =	swait.ge [sflag:s25], $0x4000  }
0x10a: {  	[sflag:s25] =	ssyncset.done $0x0  }
0x10b: {  	[sflag:s25] =	ssyncadd.s32 $0xFFFFC000  }
0x10c: {  	_ =	swait.ge [sflag:s21], $0x4000  }
0x10d: {  	[sflag:s21] =	ssyncset.done $0x0  }
0x10e: {  	[sflag:s21] =	ssyncadd.s32 $0xFFFFC000  }
0x10f: {  	v2 =	vld.msk [tilespmem:s22+$0x20], $0xff;
	_ =	sdelay $0x4  }
0x110: {  	v3 =	vshll.u32 v2, $0x4  }
0x111: {  	v2 =	vand.u32 $0x7, v2;
	v3 =	vand.u32 $0xFFFFFF80, v3  }
0x112: {  	v2 =	vor.u32 v2, v3  }
0x113: {  	v2 =	vperm.xlane v2, v0;
	_ =	sdelay $0x1  }
0x114: {  	v2 =	vadd.s32 v1, v2;
	_ =	sdelay $0x4  }
0x115: {  	[tilespmem:s12], [sflag:$0x1] =	stream.indirect_vreg.gather [hbm4b:s2+s3], $0x80, v2, vm0, $0xb8;
	[tilespmem:$0x18200] =	vst v63  }
0x116: {  	s30 =	simm.s32 $0x8A00  }
0x117: {  	[tilespmem:s30], [sflag:$0x1] =	stream.indirect_vreg.gather [hbm4b:s5+s3], $0x80, v2, vm0, $0xb8;
	[tilespmem:$0x18200] =	vst v63  }
0x118: {  	s30 =	simm.s32 $0x9200  }
0x119: {  	[tilespmem:s30], [sflag:$0x1] =	stream.indirect_vreg.gather [hbm4b:s6+s3], $0x80, v2, vm0, $0xb8;
	[tilespmem:$0x18200] =	vst v63  }
0x11a: {  	s30 =	simm.s32 $0x9A00  }
0x11b: {  	[tilespmem:s30], [sflag:$0x1] =	stream.indirect_vreg.gather [hbm4b:s7+s3], $0x80, v2, vm0, $0xb8;
	[tilespmem:$0x18200] =	vst v63  }
0x11c: {  	s30 =	simm.s32 $0xA200  }
0x11d: {  	[tilespmem:s30], [sflag:$0x1] =	stream.indirect_vreg.gather [hbm4b:s8+s3], $0x80, v2, vm0, $0xb8;
	[tilespmem:$0x18200] =	vst v63  }
0x11e: {  	s30 =	simm.s32 $0xAA00  }
0x11f: {  	[tilespmem:s30], [sflag:$0x1] =	stream.indirect_vreg.gather [hbm4b:s9+s3], $0x80, v2, vm0, $0xb8;
	[tilespmem:$0x18200] =	vst v63  }
0x120: {  	s30 =	simm.s32 $0xB200  }
0x121: {  	[tilespmem:s30], [sflag:$0x1] =	stream.indirect_vreg.gather [hbm4b:s10+s3], $0x80, v2, vm0, $0xb8;
	[tilespmem:$0x18200] =	vst v63  }
.Ltmp7:
0x122: {  	_ = 	snop;
	(pc) =	sbr.rel .LBB2_2-.Ltmp7, $4  }
0x123: {  	s30 =	simm.s32 $0xBA00  }
0x124: {  	[tilespmem:s30], [sflag:$0x1] =	stream.indirect_vreg.gather [hbm4b:s11+s3], $0x80, v2, vm0, $0xb8;
	[tilespmem:$0x18200] =	vst v63  }
0x125: {  	s24 =	sadd.s32 $0x2800, s24;
	s23 =	sadd.s32 $0x3000, s23;
	s22 =	sadd.s32 $0x30, s22  }
0x126: {  	[hbm4b:s24+s3] =	stream.linear.scatter [tilespmem:s20], [sflag:$0x2], $0x4000, $0x38;
	[tilespmem:$0x18200] =	vst v63  }
.LBB2_13:
0x127: {  	_ =	sfence.sel $0x180000  }
0x128: {  	[bflag:$0x0] =	sbarrier.arrive $0xFFFF  }
0x129: {  	_ =	strace $0x90000047  }
0x12a: {  	s0 =	stileid.u32;
	[bflag:$0x2] =	sbarrier.arrive $0xFFFF  }
0x12b: {  	p0 =	sne.s32 s0, $0x0;
	s0 =	rddreg [dreg:$0x3]  }
0x12c: {  	s0 =	sadd.s32 @!p0 $0x100000, s0  }
0x12d: {  	[sflag:s0] =	ssyncadd.tile.s32 @!p0 $0x1;
	_ =	shalt  }
.Lfunc_end2:
_tile_overlayer_lowered:
.L_overlay_start_2:
0x12e: {  	(tag) =	ssettag $0x2  }
0x12f: {  	s0 =	rddreg [dreg:$0x0];
	s2 =	stileid.u32  }
0x130: {  	s1 =	rddreg [dreg:$0x1];
	p0 =	sne.s32 s2, $0x0  }
0x131: {  	s3 =	rddreg [dreg:$0x2];
	[bflag:$0x3] =	sbarrier.arrive $0xFFFF;
	s2 =	simm.s32 @!p0 $0x1C03  }
0x132: {  	[timem:s3], [sflag:s2] =	dma.local @!p0 [hbm:s0], s1  }
0x133: {  	s0 =	simm.s32 @!p0 $0x3  }
0x134: {  	_ =	swait.ge @!p0 [sflag:s0], s1  }
0x135: {  	s1 =	ssub.s32 @!p0 $0x0, s1;
	[sflag:s0] =	ssyncset.done @!p0 $0x0  }
0x136: {  	[sflag:s0] =	ssyncadd.s32 @!p0 s1  }
0x137: {  	[bflag:$0x3] =	sbarrier.arrive $0xFFFF  }
0x138: {  	_ =	shalt  }

</sc_bundles>
